<compile_context>
chip_gen: v7x
topology: tpu7x:2x2x1
jax: 0.10.2.dev20260603
libtpu: 0.0.44.dev20260713+nightly
codegen_flags: <defaults>
</compile_context>

<pallas_src>
import jax
import jax.numpy as jnp
from jax.experimental import pallas as pl
from jax.experimental.pallas import tpu as pltpu
from jax.experimental.pallas import tpu_sc as plsc

_LANES = 16
_ROWS_PER_BLOCK = 128


def _block_body(at_vmem, bt_vmem, o_vmem):
    lane_iota = jax.lax.iota(jnp.int32, _LANES)

    @plsc.parallel_loop(0, _ROWS_PER_BLOCK, unroll=2)
    def _(t):
        base = t & (-_LANES)
        col_idx = base + ((t + lane_iota) & (_LANES - 1))
        for k in range(8):
            row_a = lane_iota + (k * _LANES)
            row_b = lane_iota + ((k - 2) * _LANES)
            if k < 6:
                va = plsc.load_gather(at_vmem, [row_a, col_idx])
            if k >= 2:
                vb = plsc.load_gather(bt_vmem, [row_b, col_idx])
            if k < 2:
                v = va
            elif k < 6:
                v = va + vb
            else:
                v = vb
            plsc.store_scatter(o_vmem, [col_idx, row_a], v)


def kernel(a, b):
    n = a.shape[0]
    at = a.T
    bt = b.T
    mesh = plsc.VectorSubcoreMesh(core_axis_name="core",
                                  subcore_axis_name="subcore")

    @pl.kernel(out_type=jax.ShapeDtypeStruct((n, 128), a.dtype), mesh=mesh,
               compiler_params=pltpu.CompilerParams(needs_layout_passes=False))
    def run(at_hbm, bt_hbm, o_hbm):
        pltpu.emit_pipeline(
            _block_body,
            grid=(n // _ROWS_PER_BLOCK,),
            in_specs=[
                pl.BlockSpec((96, _ROWS_PER_BLOCK), lambda i: (0, i)),
                pl.BlockSpec((96, _ROWS_PER_BLOCK), lambda i: (0, i)),
            ],
            out_specs=[pl.BlockSpec((_ROWS_PER_BLOCK, 128), lambda i: (i, 0))],
            core_axis_name=("core", "subcore"),
            dimension_semantics=(pltpu.PARALLEL,),
        )(at_hbm, bt_hbm, o_hbm)

    return run(at, bt)

# --- scband reference (transcript-rebuilt; emitter-appended) ---
"""Pipeline reference for scband-add-operation-59167469469974 (READ-ONLY COPY).

The authoritative reference and input builder live on the scoring server;
editing this copy changes nothing except your own understanding.
"""

import jax, jax.numpy as jnp
import numpy as np

# Buffers derived in __init__ from the masks:
# mask_a = [1]*96 + [0]*32  -> channels_a = 0..95
# mask_b = [0]*32 + [1]*96  -> channels_b = 32..127
# mask_out = [1]*128        -> channels_out = 0..127
CH_A = jnp.arange(0, 96, dtype=jnp.int32)
CH_B = jnp.arange(32, 128, dtype=jnp.int32)
CH_OUT = jnp.arange(0, 128, dtype=jnp.int32)
ORIG_C = 128  # original_size = mask_out.shape[1:] = (128,)


def setup_inputs(seed: int = 0) -> dict:
    key = jax.random.key(seed)
    k1, k2 = jax.random.split(key)
    a = jax.random.normal(k1, (262144, 96), dtype=jnp.float32)
    b = jax.random.normal(k2, (262144, 96), dtype=jnp.float32)
    return {"a": a, "b": b}


def reference(a, b):
    # operation_result = zeros(B, *original_size)
    res = jnp.zeros((a.shape[0], ORIG_C), dtype=a.dtype)
    # operation_result[:, channels_a] = a   (scatter-overwrite)
    res = res.at[:, CH_A].set(a)
    # operation_result[:, channels_b] += b  (scatter-add)
    res = res.at[:, CH_B].add(b)
    # return operation_result[:, channels_out]  (gather)
    return jnp.take(res, CH_OUT, axis=1)

if __name__ == "__main__":
    import jax
    _d = setup_inputs()
    print(jax.jit(kernel)(*tuple(_d.values())))

</pallas_src>

<mosaic_0001>
#map = affine_map<(d0, d1) -> (0, 0)>
module attributes {stable_mosaic.version = 14 : i64} {
  func.func @run(%arg0: i32, %arg1: i32, %arg2: memref<96x262144xf32, #tpu.memory_space<hbm>>, %arg3: memref<96x262144xf32, #tpu.memory_space<hbm>>, %arg4: memref<262144x128xf32, #tpu.memory_space<hbm>>) attributes {dimension_semantics = [#tpu.dimension_semantics<core_parallel>, #tpu.dimension_semantics<subcore_parallel>], iteration_bounds = array<i64: 2, 16>, scalar_prefetch = 0 : i64, scratch_operands = 0 : i64, tpu.core_type = #tpu.core_type<sc_vector_subcore>, window_params = [{transform_indices = #map}, {transform_indices = #map}, {transform_indices = #map}]} {
    %mul3A = arith.constant 1 : i32
    %mul3A_0 = arith.muli %arg1, %mul3A : i32
    %add3A = arith.constant 0 : i32
    %add3A_1 = arith.addi %add3A, %mul3A_0 : i32
    %mul3A_2 = arith.constant 16 : i32
    %mul3A_3 = arith.muli %arg0, %mul3A_2 : i32
    %add3A_4 = arith.addi %add3A_1, %mul3A_3 : i32
    %mul3A_5 = arith.constant 64 : i32
    %mul3A_6 = arith.muli %add3A_4, %mul3A_5 : i32
    "tpu.region"() ({
      %run_scoped3A = memref.alloca() : memref<2x96x128xf32, #tpu.memory_space<vmem>>
      %run_scoped3A_7 = tpu.sem_alloc : memref<2x!tpu.dma_semaphore, #tpu.memory_space<semaphore_mem>>
      %run_scoped3A_8 = memref.alloca() : memref<2x96x128xf32, #tpu.memory_space<vmem>>
      %run_scoped3A_9 = tpu.sem_alloc : memref<2x!tpu.dma_semaphore, #tpu.memory_space<semaphore_mem>>
      %run_scoped3A_10 = memref.alloca() : memref<2x128x128xf32, #tpu.memory_space<vmem>>
      %run_scoped3A_11 = tpu.sem_alloc : memref<2x!tpu.dma_semaphore, #tpu.memory_space<semaphore_mem>>
      %add3A_12 = arith.constant 0 : i32
      %add3A_13 = arith.addi %add3A_12, %mul3A_6 : i32
      %select_n3A = arith.constant true
      %select_n3A_14 = arith.constant 0 : i32
      %select_n3A_15 = arith.constant -1 : i32
      %select_n3A_16 = arith.select %select_n3A, %select_n3A_15, %select_n3A_14 : i32
      %eq3A = arith.constant -1 : i32
      %eq3A_17 = arith.cmpi eq, %select_n3A_16, %eq3A : i32
      %select_n3A_18 = arith.constant 63 : i32
      %select_n3A_19 = arith.select %eq3A_17, %select_n3A_18, %select_n3A_16 : i32
      %add3A_20 = arith.addi %select_n3A_19, %mul3A_6 : i32
      %select_n3A_21 = arith.constant true
      %select_n3A_22 = arith.constant 0 : i32
      %select_n3A_23 = arith.constant 1 : i32
      %select_n3A_24 = arith.select %select_n3A_21, %select_n3A_23, %select_n3A_22 : i32
      %eq3A_25 = arith.constant 64 : i32
      %eq3A_26 = arith.cmpi eq, %select_n3A_24, %eq3A_25 : i32
      %select_n3A_27 = arith.constant 0 : i32
      %select_n3A_28 = arith.select %eq3A_26, %select_n3A_27, %select_n3A_24 : i32
      %add3A_29 = arith.addi %select_n3A_28, %mul3A_6 : i32
      %add3A_30 = arith.constant 1 : i32
      %add3A_31 = arith.addi %select_n3A_28, %add3A_30 : i32
      %select_n3A_32 = arith.constant true
      %select_n3A_33 = arith.select %select_n3A_32, %add3A_31, %select_n3A_28 : i32
      %eq3A_34 = arith.constant 64 : i32
      %eq3A_35 = arith.cmpi eq, %select_n3A_33, %eq3A_34 : i32
      %select_n3A_36 = arith.constant 0 : i32
      %select_n3A_37 = arith.select %eq3A_35, %select_n3A_36, %select_n3A_33 : i32
      %add3A_38 = arith.addi %select_n3A_37, %mul3A_6 : i32
      "tpu.trace_start"() <{level = 10 : i32, message = "ep_initialize_0"}> : () -> ()
      %rem3A = arith.constant 0 : i32
      %rem3A_39 = arith.constant 2 : i32
      %rem3A_40 = arith.remui %rem3A, %rem3A_39 : i32
      %mul3A_41 = arith.constant 128 : i32
      %mul3A_42 = arith.muli %mul3A_41, %add3A_13 : i32
      %dma_start3A = arith.constant 0 : i32
      %dma_start3A_43 = arith.constant 0 : i32
      %dma_start3A_44 = tpu.memref_slice %run_scoped3A[%rem3A_40, %dma_start3A, %dma_start3A_43] : memref<2x96x128xf32, #tpu.memory_space<vmem>> -> memref<1x96x128xf32, #tpu.memory_space<vmem>>
      %dma_start3A_45 = tpu.memref_squeeze %dma_start3A_44 : memref<1x96x128xf32, #tpu.memory_space<vmem>> -> memref<96x128xf32, #tpu.memory_space<vmem>>
      %dma_start3A_46 = arith.constant 0 : i32
      %dma_start3A_47 = tpu.memref_slice %arg2[%dma_start3A_46, %mul3A_42] : memref<96x262144xf32, #tpu.memory_space<hbm>> -> memref<96x128xf32, #tpu.memory_space<hbm>>
      %dma_start3A_48 = tpu.memref_slice %run_scoped3A_7[%rem3A_40] : memref<2x!tpu.dma_semaphore, #tpu.memory_space<semaphore_mem>> -> memref<1x!tpu.dma_semaphore, #tpu.memory_space<semaphore_mem>>
      %dma_start3A_49 = tpu.memref_squeeze %dma_start3A_48 : memref<1x!tpu.dma_semaphore, #tpu.memory_space<semaphore_mem>> -> memref<!tpu.dma_semaphore, #tpu.memory_space<semaphore_mem>>
      %dma_start3A_50 = arith.constant 0 : i32
      %dma_start3A_51 = arith.constant 0 : i32
      %dma_start3A_52 = tpu.memref_slice %run_scoped3A[%rem3A_40, %dma_start3A_50, %dma_start3A_51] : memref<2x96x128xf32, #tpu.memory_space<vmem>> -> memref<1x96x128xf32, #tpu.memory_space<vmem>>
      %dma_start3A_53 = tpu.memref_squeeze %dma_start3A_52 : memref<1x96x128xf32, #tpu.memory_space<vmem>> -> memref<96x128xf32, #tpu.memory_space<vmem>>
      %dma_start3A_54 = arith.constant 0 : i32
      %dma_start3A_55 = tpu.memref_slice %arg2[%dma_start3A_54, %mul3A_42] : memref<96x262144xf32, #tpu.memory_space<hbm>> -> memref<96x128xf32, #tpu.memory_space<hbm>>
      tpu.enqueue_dma source(%dma_start3A_55 : memref<96x128xf32, #tpu.memory_space<hbm>>) target(%dma_start3A_53 : memref<96x128xf32, #tpu.memory_space<vmem>>) target_semaphore(%dma_start3A_49 : memref<!tpu.dma_semaphore, #tpu.memory_space<semaphore_mem>>)
      %add3A_56 = arith.constant 0 : i32
      %add3A_57 = arith.constant 1 : i32
      %add3A_58 = arith.addi %add3A_56, %add3A_57 : i32
      %select_n3A_59 = arith.constant true
      %select_n3A_60 = arith.constant 0 : i32
      %select_n3A_61 = arith.select %select_n3A_59, %add3A_58, %select_n3A_60 : i32
      %rem3A_62 = arith.constant 0 : i32
      %rem3A_63 = arith.constant 2 : i32
      %rem3A_64 = arith.remui %rem3A_62, %rem3A_63 : i32
      %mul3A_65 = arith.constant 128 : i32
      %mul3A_66 = arith.muli %mul3A_65, %add3A_13 : i32
      %dma_start3A_67 = arith.constant 0 : i32
      %dma_start3A_68 = arith.constant 0 : i32
      %dma_start3A_69 = tpu.memref_slice %run_scoped3A_8[%rem3A_64, %dma_start3A_67, %dma_start3A_68] : memref<2x96x128xf32, #tpu.memory_space<vmem>> -> memref<1x96x128xf32, #tpu.memory_space<vmem>>
      %dma_start3A_70 = tpu.memref_squeeze %dma_start3A_69 : memref<1x96x128xf32, #tpu.memory_space<vmem>> -> memref<96x128xf32, #tpu.memory_space<vmem>>
      %dma_start3A_71 = arith.constant 0 : i32
      %dma_start3A_72 = tpu.memref_slice %arg3[%dma_start3A_71, %mul3A_66] : memref<96x262144xf32, #tpu.memory_space<hbm>> -> memref<96x128xf32, #tpu.memory_space<hbm>>
      %dma_start3A_73 = tpu.memref_slice %run_scoped3A_9[%rem3A_64] : memref<2x!tpu.dma_semaphore, #tpu.memory_space<semaphore_mem>> -> memref<1x!tpu.dma_semaphore, #tpu.memory_space<semaphore_mem>>
      %dma_start3A_74 = tpu.memref_squeeze %dma_start3A_73 : memref<1x!tpu.dma_semaphore, #tpu.memory_space<semaphore_mem>> -> memref<!tpu.dma_semaphore, #tpu.memory_space<semaphore_mem>>
      %dma_start3A_75 = arith.constant 0 : i32
      %dma_start3A_76 = arith.constant 0 : i32
      %dma_start3A_77 = tpu.memref_slice %run_scoped3A_8[%rem3A_64, %dma_start3A_75, %dma_start3A_76] : memref<2x96x128xf32, #tpu.memory_space<vmem>> -> memref<1x96x128xf32, #tpu.memory_space<vmem>>
      %dma_start3A_78 = tpu.memref_squeeze %dma_start3A_77 : memref<1x96x128xf32, #tpu.memory_space<vmem>> -> memref<96x128xf32, #tpu.memory_space<vmem>>
      %dma_start3A_79 = arith.constant 0 : i32
      %dma_start3A_80 = tpu.memref_slice %arg3[%dma_start3A_79, %mul3A_66] : memref<96x262144xf32, #tpu.memory_space<hbm>> -> memref<96x128xf32, #tpu.memory_space<hbm>>
      tpu.enqueue_dma source(%dma_start3A_80 : memref<96x128xf32, #tpu.memory_space<hbm>>) target(%dma_start3A_78 : memref<96x128xf32, #tpu.memory_space<vmem>>) target_semaphore(%dma_start3A_74 : memref<!tpu.dma_semaphore, #tpu.memory_space<semaphore_mem>>)
      %add3A_81 = arith.constant 0 : i32
      %add3A_82 = arith.constant 1 : i32
      %add3A_83 = arith.addi %add3A_81, %add3A_82 : i32
      %select_n3A_84 = arith.constant true
      %select_n3A_85 = arith.constant 0 : i32
      %select_n3A_86 = arith.select %select_n3A_84, %add3A_83, %select_n3A_85 : i32
      "tpu.trace_stop"() : () -> ()
      %scan3A = arith.constant 0 : i32
      %scan3A_87 = arith.constant 0 : i32
      %scan3A_88 = arith.constant 0 : i32
      %scan3A_89 = arith.constant 0 : i32
      %scan3A_90 = arith.constant 0 : i32
      %scan3A_91 = arith.constant 0 : i32
      %scan3A_92 = arith.constant 64 : i32
      %scan3A_93 = arith.addi %scan3A_91, %scan3A_92 : i32
      %scan3A_94 = arith.constant 1 : i32
      %scan3A_95:7 = scf.for %scan3A_149 = %scan3A_91 to %scan3A_93 step %scan3A_94 iter_args(%scan3A_150 = %select_n3A_61, %scan3A_151 = %scan3A, %scan3A_152 = %select_n3A_86, %scan3A_153 = %scan3A_87, %scan3A_154 = %scan3A_88, %scan3A_155 = %scan3A_89, %scan3A_156 = %scan3A_90) -> (i32, i32, i32, i32, i32, i32, i32)  : i32 {
        %eq3A_157 = arith.constant 0 : i32
        %eq3A_158 = arith.cmpi eq, %scan3A_149, %eq3A_157 : i32
        %eq3A_159 = arith.constant 63 : i32
        %eq3A_160 = arith.cmpi eq, %scan3A_149, %eq3A_159 : i32
        %add3A_161 = arith.addi %scan3A_156, %mul3A_6 : i32
        %sub3A_162 = arith.constant 1 : i32
        %sub3A_163 = arith.subi %scan3A_156, %sub3A_162 : i32
        %select_n3A_164 = arith.constant true
        %select_n3A_165 = arith.select %select_n3A_164, %sub3A_163, %scan3A_156 : i32
        %eq3A_166 = arith.constant -1 : i32
        %eq3A_167 = arith.cmpi eq, %select_n3A_165, %eq3A_166 : i32
        %select_n3A_168 = arith.constant 63 : i32
        %select_n3A_169 = arith.select %eq3A_167, %select_n3A_168, %select_n3A_165 : i32
        %add3A_170 = arith.addi %select_n3A_169, %mul3A_6 : i32
        %add3A_171 = arith.constant 1 : i32
        %add3A_172 = arith.addi %scan3A_156, %add3A_171 : i32
        %select_n3A_173 = arith.constant true
        %select_n3A_174 = arith.select %select_n3A_173, %add3A_172, %scan3A_156 : i32
        %eq3A_175 = arith.constant 64 : i32
        %eq3A_176 = arith.cmpi eq, %select_n3A_174, %eq3A_175 : i32
        %select_n3A_177 = arith.constant 0 : i32
        %select_n3A_178 = arith.select %eq3A_176, %select_n3A_177, %select_n3A_174 : i32
        %add3A_179 = arith.addi %select_n3A_178, %mul3A_6 : i32
        %add3A_180 = arith.constant 1 : i32
        %add3A_181 = arith.addi %select_n3A_178, %add3A_180 : i32
        %select_n3A_182 = arith.constant true
        %select_n3A_183 = arith.select %select_n3A_182, %add3A_181, %select_n3A_178 : i32
        %eq3A_184 = arith.constant 64 : i32
        %eq3A_185 = arith.cmpi eq, %select_n3A_183, %eq3A_184 : i32
        %select_n3A_186 = arith.constant 0 : i32
        %select_n3A_187 = arith.select %eq3A_185, %select_n3A_186, %select_n3A_183 : i32
        %add3A_188 = arith.addi %select_n3A_187, %mul3A_6 : i32
        %ne3A = arith.cmpi ne, %add3A_161, %add3A_179 : i32
        %or3A = arith.constant false
        %or3A_189 = arith.ori %or3A, %ne3A : i1
        %ge3A = arith.constant 63 : i32
        %ge3A_190 = arith.cmpi sge, %scan3A_149, %ge3A : i32
        %not3A = arith.constant true
        %not3A_191 = arith.xori %ge3A_190, %not3A : i1
        %and3A = arith.andi %or3A_189, %not3A_191 : i1
        %convert_element_type3A = arith.extui %and3A : i1 to i32
        %cond3A = arith.constant 0 : i32
        %cond3A_192 = arith.cmpi ne, %convert_element_type3A, %cond3A : i32
        scf.if %cond3A_192 {
          "tpu.trace_start"() <{level = 10 : i32, message = "ep_copy_in"}> : () -> ()
          %rem3A_347 = arith.constant 2 : i32
          %rem3A_348 = arith.remui %scan3A_150, %rem3A_347 : i32
          %mul3A_349 = arith.constant 128 : i32
          %mul3A_350 = arith.muli %mul3A_349, %add3A_179 : i32
          %dma_start3A_351 = arith.constant 0 : i32
          %dma_start3A_352 = arith.constant 0 : i32
          %dma_start3A_353 = tpu.memref_slice %run_scoped3A[%rem3A_348, %dma_start3A_351, %dma_start3A_352] : memref<2x96x128xf32, #tpu.memory_space<vmem>> -> memref<1x96x128xf32, #tpu.memory_space<vmem>>
          %dma_start3A_354 = tpu.memref_squeeze %dma_start3A_353 : memref<1x96x128xf32, #tpu.memory_space<vmem>> -> memref<96x128xf32, #tpu.memory_space<vmem>>
          %dma_start3A_355 = arith.constant 0 : i32
          %dma_start3A_356 = tpu.memref_slice %arg2[%dma_start3A_355, %mul3A_350] : memref<96x262144xf32, #tpu.memory_space<hbm>> -> memref<96x128xf32, #tpu.memory_space<hbm>>
          %dma_start3A_357 = tpu.memref_slice %run_scoped3A_7[%rem3A_348] : memref<2x!tpu.dma_semaphore, #tpu.memory_space<semaphore_mem>> -> memref<1x!tpu.dma_semaphore, #tpu.memory_space<semaphore_mem>>
          %dma_start3A_358 = tpu.memref_squeeze %dma_start3A_357 : memref<1x!tpu.dma_semaphore, #tpu.memory_space<semaphore_mem>> -> memref<!tpu.dma_semaphore, #tpu.memory_space<semaphore_mem>>
          %dma_start3A_359 = arith.constant 0 : i32
          %dma_start3A_360 = arith.constant 0 : i32
          %dma_start3A_361 = tpu.memref_slice %run_scoped3A[%rem3A_348, %dma_start3A_359, %dma_start3A_360] : memref<2x96x128xf32, #tpu.memory_space<vmem>> -> memref<1x96x128xf32, #tpu.memory_space<vmem>>
          %dma_start3A_362 = tpu.memref_squeeze %dma_start3A_361 : memref<1x96x128xf32, #tpu.memory_space<vmem>> -> memref<96x128xf32, #tpu.memory_space<vmem>>
          %dma_start3A_363 = arith.constant 0 : i32
          %dma_start3A_364 = tpu.memref_slice %arg2[%dma_start3A_363, %mul3A_350] : memref<96x262144xf32, #tpu.memory_space<hbm>> -> memref<96x128xf32, #tpu.memory_space<hbm>>
          tpu.enqueue_dma source(%dma_start3A_364 : memref<96x128xf32, #tpu.memory_space<hbm>>) target(%dma_start3A_362 : memref<96x128xf32, #tpu.memory_space<vmem>>) target_semaphore(%dma_start3A_358 : memref<!tpu.dma_semaphore, #tpu.memory_space<semaphore_mem>>)
          "tpu.trace_stop"() : () -> ()
        } else {
        }
        %and3A_193 = arith.constant true
        %and3A_194 = arith.andi %and3A, %and3A_193 : i1
        %add3A_195 = arith.constant 1 : i32
        %add3A_196 = arith.addi %scan3A_150, %add3A_195 : i32
        %select_n3A_197 = arith.select %and3A_194, %add3A_196, %scan3A_150 : i32
        %ne3A_198 = arith.cmpi ne, %add3A_161, %add3A_179 : i32
        %or3A_199 = arith.constant false
        %or3A_200 = arith.ori %or3A_199, %ne3A_198 : i1
        %ge3A_201 = arith.constant 63 : i32
        %ge3A_202 = arith.cmpi sge, %scan3A_149, %ge3A_201 : i32
        %not3A_203 = arith.constant true
        %not3A_204 = arith.xori %ge3A_202, %not3A_203 : i1
        %and3A_205 = arith.andi %or3A_200, %not3A_204 : i1
        %convert_element_type3A_206 = arith.extui %and3A_205 : i1 to i32
        %cond3A_207 = arith.constant 0 : i32
        %cond3A_208 = arith.cmpi ne, %convert_element_type3A_206, %cond3A_207 : i32
        scf.if %cond3A_208 {
          "tpu.trace_start"() <{level = 10 : i32, message = "ep_copy_in"}> : () -> ()
          %rem3A_347 = arith.constant 2 : i32
          %rem3A_348 = arith.remui %scan3A_152, %rem3A_347 : i32
          %mul3A_349 = arith.constant 128 : i32
          %mul3A_350 = arith.muli %mul3A_349, %add3A_179 : i32
          %dma_start3A_351 = arith.constant 0 : i32
          %dma_start3A_352 = arith.constant 0 : i32
          %dma_start3A_353 = tpu.memref_slice %run_scoped3A_8[%rem3A_348, %dma_start3A_351, %dma_start3A_352] : memref<2x96x128xf32, #tpu.memory_space<vmem>> -> memref<1x96x128xf32, #tpu.memory_space<vmem>>
          %dma_start3A_354 = tpu.memref_squeeze %dma_start3A_353 : memref<1x96x128xf32, #tpu.memory_space<vmem>> -> memref<96x128xf32, #tpu.memory_space<vmem>>
          %dma_start3A_355 = arith.constant 0 : i32
          %dma_start3A_356 = tpu.memref_slice %arg3[%dma_start3A_355, %mul3A_350] : memref<96x262144xf32, #tpu.memory_space<hbm>> -> memref<96x128xf32, #tpu.memory_space<hbm>>
          %dma_start3A_357 = tpu.memref_slice %run_scoped3A_9[%rem3A_348] : memref<2x!tpu.dma_semaphore, #tpu.memory_space<semaphore_mem>> -> memref<1x!tpu.dma_semaphore, #tpu.memory_space<semaphore_mem>>
          %dma_start3A_358 = tpu.memref_squeeze %dma_start3A_357 : memref<1x!tpu.dma_semaphore, #tpu.memory_space<semaphore_mem>> -> memref<!tpu.dma_semaphore, #tpu.memory_space<semaphore_mem>>
          %dma_start3A_359 = arith.constant 0 : i32
          %dma_start3A_360 = arith.constant 0 : i32
          %dma_start3A_361 = tpu.memref_slice %run_scoped3A_8[%rem3A_348, %dma_start3A_359, %dma_start3A_360] : memref<2x96x128xf32, #tpu.memory_space<vmem>> -> memref<1x96x128xf32, #tpu.memory_space<vmem>>
          %dma_start3A_362 = tpu.memref_squeeze %dma_start3A_361 : memref<1x96x128xf32, #tpu.memory_space<vmem>> -> memref<96x128xf32, #tpu.memory_space<vmem>>
          %dma_start3A_363 = arith.constant 0 : i32
          %dma_start3A_364 = tpu.memref_slice %arg3[%dma_start3A_363, %mul3A_350] : memref<96x262144xf32, #tpu.memory_space<hbm>> -> memref<96x128xf32, #tpu.memory_space<hbm>>
          tpu.enqueue_dma source(%dma_start3A_364 : memref<96x128xf32, #tpu.memory_space<hbm>>) target(%dma_start3A_362 : memref<96x128xf32, #tpu.memory_space<vmem>>) target_semaphore(%dma_start3A_358 : memref<!tpu.dma_semaphore, #tpu.memory_space<semaphore_mem>>)
          "tpu.trace_stop"() : () -> ()
        } else {
        }
        %and3A_209 = arith.constant true
        %and3A_210 = arith.andi %and3A_205, %and3A_209 : i1
        %add3A_211 = arith.constant 1 : i32
        %add3A_212 = arith.addi %scan3A_152, %add3A_211 : i32
        %select_n3A_213 = arith.select %and3A_210, %add3A_212, %scan3A_152 : i32
        %ne3A_214 = arith.cmpi ne, %add3A_161, %add3A_179 : i32
        %or3A_215 = arith.constant false
        %or3A_216 = arith.ori %or3A_215, %ne3A_214 : i1
        %or3A_217 = arith.constant false
        %or3A_218 = arith.ori %or3A_216, %or3A_217 : i1
        %ge3A_219 = arith.constant 63 : i32
        %ge3A_220 = arith.cmpi sge, %scan3A_149, %ge3A_219 : i32
        %not3A_221 = arith.constant true
        %not3A_222 = arith.xori %ge3A_220, %not3A_221 : i1
        %and3A_223 = arith.andi %or3A_218, %not3A_222 : i1
        %ne3A_224 = arith.cmpi ne, %add3A_161, %add3A_170 : i32
        %or3A_225 = arith.constant false
        %or3A_226 = arith.ori %or3A_225, %ne3A_224 : i1
        %or3A_227 = arith.ori %or3A_226, %eq3A_158 : i1
        %convert_element_type3A_228 = arith.extui %or3A_227 : i1 to i32
        %cond3A_229 = arith.constant 0 : i32
        %cond3A_230 = arith.cmpi ne, %convert_element_type3A_228, %cond3A_229 : i32
        scf.if %cond3A_230 {
          "tpu.trace_start"() <{level = 10 : i32, message = "ep_wait_in"}> : () -> ()
          %mul3A_347 = arith.constant 128 : i32
          %mul3A_348 = arith.muli %mul3A_347, %add3A_161 : i32
          %rem3A_349 = arith.constant 2 : i32
          %rem3A_350 = arith.remui %scan3A_151, %rem3A_349 : i32
          %dma_wait3A_351 = arith.constant 0 : i32
          %dma_wait3A_352 = arith.constant 0 : i32
          %dma_wait3A_353 = tpu.memref_slice %run_scoped3A[%rem3A_350, %dma_wait3A_351, %dma_wait3A_352] : memref<2x96x128xf32, #tpu.memory_space<vmem>> -> memref<1x96x128xf32, #tpu.memory_space<vmem>>
          %dma_wait3A_354 = tpu.memref_squeeze %dma_wait3A_353 : memref<1x96x128xf32, #tpu.memory_space<vmem>> -> memref<96x128xf32, #tpu.memory_space<vmem>>
          %dma_wait3A_355 = arith.constant 0 : i32
          %dma_wait3A_356 = tpu.memref_slice %arg2[%dma_wait3A_355, %mul3A_348] : memref<96x262144xf32, #tpu.memory_space<hbm>> -> memref<96x128xf32, #tpu.memory_space<hbm>>
          %dma_wait3A_357 = tpu.memref_slice %run_scoped3A_7[%rem3A_350] : memref<2x!tpu.dma_semaphore, #tpu.memory_space<semaphore_mem>> -> memref<1x!tpu.dma_semaphore, #tpu.memory_space<semaphore_mem>>
          %dma_wait3A_358 = tpu.memref_squeeze %dma_wait3A_357 : memref<1x!tpu.dma_semaphore, #tpu.memory_space<semaphore_mem>> -> memref<!tpu.dma_semaphore, #tpu.memory_space<semaphore_mem>>
          %dma_wait3A_359 = arith.constant 0 : i32
          %dma_wait3A_360 = arith.constant 0 : i32
          %dma_wait3A_361 = tpu.memref_slice %run_scoped3A[%rem3A_350, %dma_wait3A_359, %dma_wait3A_360] : memref<2x96x128xf32, #tpu.memory_space<vmem>> -> memref<1x96x128xf32, #tpu.memory_space<vmem>>
          %dma_wait3A_362 = tpu.memref_squeeze %dma_wait3A_361 : memref<1x96x128xf32, #tpu.memory_space<vmem>> -> memref<96x128xf32, #tpu.memory_space<vmem>>
          %dma_wait3A_363 = arith.constant 0 : i32
          %dma_wait3A_364 = tpu.memref_slice %arg2[%dma_wait3A_363, %mul3A_348] : memref<96x262144xf32, #tpu.memory_space<hbm>> -> memref<96x128xf32, #tpu.memory_space<hbm>>
          tpu.wait_dma2 semaphore(%dma_wait3A_358 : memref<!tpu.dma_semaphore, #tpu.memory_space<semaphore_mem>>) src(%dma_wait3A_364 : memref<96x128xf32, #tpu.memory_space<hbm>>) dst(%dma_wait3A_362 : memref<96x128xf32, #tpu.memory_space<vmem>>)
          "tpu.trace_stop"() : () -> ()
        } else {
        }
        %ne3A_231 = arith.cmpi ne, %add3A_161, %add3A_170 : i32
        %or3A_232 = arith.constant false
        %or3A_233 = arith.ori %or3A_232, %ne3A_231 : i1
        %or3A_234 = arith.ori %or3A_233, %eq3A_158 : i1
        %convert_element_type3A_235 = arith.extui %or3A_234 : i1 to i32
        %cond3A_236 = arith.constant 0 : i32
        %cond3A_237 = arith.cmpi ne, %convert_element_type3A_235, %cond3A_236 : i32
        scf.if %cond3A_237 {
          "tpu.trace_start"() <{level = 10 : i32, message = "ep_wait_in"}> : () -> ()
          %mul3A_347 = arith.constant 128 : i32
          %mul3A_348 = arith.muli %mul3A_347, %add3A_161 : i32
          %rem3A_349 = arith.constant 2 : i32
          %rem3A_350 = arith.remui %scan3A_153, %rem3A_349 : i32
          %dma_wait3A_351 = arith.constant 0 : i32
          %dma_wait3A_352 = arith.constant 0 : i32
          %dma_wait3A_353 = tpu.memref_slice %run_scoped3A_8[%rem3A_350, %dma_wait3A_351, %dma_wait3A_352] : memref<2x96x128xf32, #tpu.memory_space<vmem>> -> memref<1x96x128xf32, #tpu.memory_space<vmem>>
          %dma_wait3A_354 = tpu.memref_squeeze %dma_wait3A_353 : memref<1x96x128xf32, #tpu.memory_space<vmem>> -> memref<96x128xf32, #tpu.memory_space<vmem>>
          %dma_wait3A_355 = arith.constant 0 : i32
          %dma_wait3A_356 = tpu.memref_slice %arg3[%dma_wait3A_355, %mul3A_348] : memref<96x262144xf32, #tpu.memory_space<hbm>> -> memref<96x128xf32, #tpu.memory_space<hbm>>
          %dma_wait3A_357 = tpu.memref_slice %run_scoped3A_9[%rem3A_350] : memref<2x!tpu.dma_semaphore, #tpu.memory_space<semaphore_mem>> -> memref<1x!tpu.dma_semaphore, #tpu.memory_space<semaphore_mem>>
          %dma_wait3A_358 = tpu.memref_squeeze %dma_wait3A_357 : memref<1x!tpu.dma_semaphore, #tpu.memory_space<semaphore_mem>> -> memref<!tpu.dma_semaphore, #tpu.memory_space<semaphore_mem>>
          %dma_wait3A_359 = arith.constant 0 : i32
          %dma_wait3A_360 = arith.constant 0 : i32
          %dma_wait3A_361 = tpu.memref_slice %run_scoped3A_8[%rem3A_350, %dma_wait3A_359, %dma_wait3A_360] : memref<2x96x128xf32, #tpu.memory_space<vmem>> -> memref<1x96x128xf32, #tpu.memory_space<vmem>>
          %dma_wait3A_362 = tpu.memref_squeeze %dma_wait3A_361 : memref<1x96x128xf32, #tpu.memory_space<vmem>> -> memref<96x128xf32, #tpu.memory_space<vmem>>
          %dma_wait3A_363 = arith.constant 0 : i32
          %dma_wait3A_364 = tpu.memref_slice %arg3[%dma_wait3A_363, %mul3A_348] : memref<96x262144xf32, #tpu.memory_space<hbm>> -> memref<96x128xf32, #tpu.memory_space<hbm>>
          tpu.wait_dma2 semaphore(%dma_wait3A_358 : memref<!tpu.dma_semaphore, #tpu.memory_space<semaphore_mem>>) src(%dma_wait3A_364 : memref<96x128xf32, #tpu.memory_space<hbm>>) dst(%dma_wait3A_362 : memref<96x128xf32, #tpu.memory_space<vmem>>)
          "tpu.trace_stop"() : () -> ()
        } else {
        }
        %ne3A_238 = arith.cmpi ne, %add3A_161, %add3A_170 : i32
        %or3A_239 = arith.constant false
        %or3A_240 = arith.ori %or3A_239, %ne3A_238 : i1
        %or3A_241 = arith.constant false
        %or3A_242 = arith.ori %or3A_240, %or3A_241 : i1
        %or3A_243 = arith.ori %or3A_242, %eq3A_158 : i1
        %convert_element_type3A_244 = arith.extui %or3A_243 : i1 to i32
        %cond3A_245 = arith.constant 0 : i32
        %cond3A_246 = arith.cmpi ne, %convert_element_type3A_244, %cond3A_245 : i32
        scf.if %cond3A_246 {
        } else {
        }
        %rem3A_247 = arith.constant 2 : i32
        %rem3A_248 = arith.remui %scan3A_151, %rem3A_247 : i32
        %rem3A_249 = arith.constant 2 : i32
        %rem3A_250 = arith.remui %scan3A_153, %rem3A_249 : i32
        %rem3A_251 = arith.constant 2 : i32
        %rem3A_252 = arith.remui %scan3A_154, %rem3A_251 : i32
        "tpu.trace_start"() <{level = 10 : i32, message = "ep_run_kernel"}> : () -> ()
        %iota3A = tpu.iota {dimensions = array<i32: 0>} : vector<16xi32>
        %parallel_loop3A = arith.constant 0 : i32
        %parallel_loop3A_253 = arith.constant 128 : i32
        %parallel_loop3A_254 = arith.constant 1 : i32
        scf.for %parallel_loop3A_347 = %parallel_loop3A to %parallel_loop3A_253 step %parallel_loop3A_254  : i32 {
          %parallel_loop3A_348 = arith.constant -16 : i32
          %parallel_loop3A_349 = arith.andi %parallel_loop3A_347, %parallel_loop3A_348 : i32
          %parallel_loop3A_350 = vector.broadcast %parallel_loop3A_347 : i32 to vector<16xi32>
          %parallel_loop3A_351 = arith.addi %parallel_loop3A_350, %iota3A : vector<16xi32>
          %parallel_loop3A_352 = arith.constant 15 : i32
          %parallel_loop3A_353 = vector.broadcast %parallel_loop3A_352 : i32 to vector<16xi32>
          %parallel_loop3A_354 = arith.andi %parallel_loop3A_351, %parallel_loop3A_353 : vector<16xi32>
          %parallel_loop3A_355 = vector.broadcast %parallel_loop3A_349 : i32 to vector<16xi32>
          %parallel_loop3A_356 = arith.addi %parallel_loop3A_355, %parallel_loop3A_354 : vector<16xi32>
          %parallel_loop3A_357 = arith.constant 0 : i32
          %parallel_loop3A_358 = vector.broadcast %parallel_loop3A_357 : i32 to vector<16xi32>
          %parallel_loop3A_359 = arith.addi %iota3A, %parallel_loop3A_358 : vector<16xi32>
          %parallel_loop3A_360 = arith.constant -32 : i32
          %parallel_loop3A_361 = vector.broadcast %parallel_loop3A_360 : i32 to vector<16xi32>
          %parallel_loop3A_362 = arith.addi %iota3A, %parallel_loop3A_361 : vector<16xi32>
          %parallel_loop3A_363 = arith.constant 0 : i32
          %parallel_loop3A_364 = arith.constant 0 : i32
          %parallel_loop3A_365 = tpu.memref_slice %run_scoped3A[%rem3A_248, %parallel_loop3A_363, %parallel_loop3A_364] : memref<2x96x128xf32, #tpu.memory_space<vmem>> -> memref<1x96x128xf32, #tpu.memory_space<vmem>>
          %parallel_loop3A_366 = tpu.memref_squeeze %parallel_loop3A_365 : memref<1x96x128xf32, #tpu.memory_space<vmem>> -> memref<96x128xf32, #tpu.memory_space<vmem>>
          %parallel_loop3A_367 = tpu.vector_load_idx %parallel_loop3A_366[%parallel_loop3A_359, %parallel_loop3A_356] : memref<96x128xf32, #tpu.memory_space<vmem>>[vector<16xi32>, vector<16xi32>], vector<16xf32>,
          %parallel_loop3A_368 = arith.constant 0 : i32
          %parallel_loop3A_369 = arith.constant 0 : i32
          %parallel_loop3A_370 = tpu.memref_slice %run_scoped3A_10[%rem3A_252, %parallel_loop3A_368, %parallel_loop3A_369] : memref<2x128x128xf32, #tpu.memory_space<vmem>> -> memref<1x128x128xf32, #tpu.memory_space<vmem>>
          %parallel_loop3A_371 = tpu.memref_squeeze %parallel_loop3A_370 : memref<1x128x128xf32, #tpu.memory_space<vmem>> -> memref<128x128xf32, #tpu.memory_space<vmem>>
          tpu.vector_store_idx %parallel_loop3A_371[%parallel_loop3A_356, %parallel_loop3A_359], %parallel_loop3A_367 : memref<128x128xf32, #tpu.memory_space<vmem>>[vector<16xi32>, vector<16xi32>], vector<16xf32>,
          %parallel_loop3A_372 = arith.constant 16 : i32
          %parallel_loop3A_373 = vector.broadcast %parallel_loop3A_372 : i32 to vector<16xi32>
          %parallel_loop3A_374 = arith.addi %iota3A, %parallel_loop3A_373 : vector<16xi32>
          %parallel_loop3A_375 = arith.constant -16 : i32
          %parallel_loop3A_376 = vector.broadcast %parallel_loop3A_375 : i32 to vector<16xi32>
          %parallel_loop3A_377 = arith.addi %iota3A, %parallel_loop3A_376 : vector<16xi32>
          %parallel_loop3A_378 = arith.constant 0 : i32
          %parallel_loop3A_379 = arith.constant 0 : i32
          %parallel_loop3A_380 = tpu.memref_slice %run_scoped3A[%rem3A_248, %parallel_loop3A_378, %parallel_loop3A_379] : memref<2x96x128xf32, #tpu.memory_space<vmem>> -> memref<1x96x128xf32, #tpu.memory_space<vmem>>
          %parallel_loop3A_381 = tpu.memref_squeeze %parallel_loop3A_380 : memref<1x96x128xf32, #tpu.memory_space<vmem>> -> memref<96x128xf32, #tpu.memory_space<vmem>>
          %parallel_loop3A_382 = tpu.vector_load_idx %parallel_loop3A_381[%parallel_loop3A_374, %parallel_loop3A_356] : memref<96x128xf32, #tpu.memory_space<vmem>>[vector<16xi32>, vector<16xi32>], vector<16xf32>,
          %parallel_loop3A_383 = arith.constant 0 : i32
          %parallel_loop3A_384 = arith.constant 0 : i32
          %parallel_loop3A_385 = tpu.memref_slice %run_scoped3A_10[%rem3A_252, %parallel_loop3A_383, %parallel_loop3A_384] : memref<2x128x128xf32, #tpu.memory_space<vmem>> -> memref<1x128x128xf32, #tpu.memory_space<vmem>>
          %parallel_loop3A_386 = tpu.memref_squeeze %parallel_loop3A_385 : memref<1x128x128xf32, #tpu.memory_space<vmem>> -> memref<128x128xf32, #tpu.memory_space<vmem>>
          tpu.vector_store_idx %parallel_loop3A_386[%parallel_loop3A_356, %parallel_loop3A_374], %parallel_loop3A_382 : memref<128x128xf32, #tpu.memory_space<vmem>>[vector<16xi32>, vector<16xi32>], vector<16xf32>,
          %parallel_loop3A_387 = arith.constant 32 : i32
          %parallel_loop3A_388 = vector.broadcast %parallel_loop3A_387 : i32 to vector<16xi32>
          %parallel_loop3A_389 = arith.addi %iota3A, %parallel_loop3A_388 : vector<16xi32>
          %parallel_loop3A_390 = arith.constant 0 : i32
          %parallel_loop3A_391 = vector.broadcast %parallel_loop3A_390 : i32 to vector<16xi32>
          %parallel_loop3A_392 = arith.addi %iota3A, %parallel_loop3A_391 : vector<16xi32>
          %parallel_loop3A_393 = arith.constant 0 : i32
          %parallel_loop3A_394 = arith.constant 0 : i32
          %parallel_loop3A_395 = tpu.memref_slice %run_scoped3A[%rem3A_248, %parallel_loop3A_393, %parallel_loop3A_394] : memref<2x96x128xf32, #tpu.memory_space<vmem>> -> memref<1x96x128xf32, #tpu.memory_space<vmem>>
          %parallel_loop3A_396 = tpu.memref_squeeze %parallel_loop3A_395 : memref<1x96x128xf32, #tpu.memory_space<vmem>> -> memref<96x128xf32, #tpu.memory_space<vmem>>
          %parallel_loop3A_397 = tpu.vector_load_idx %parallel_loop3A_396[%parallel_loop3A_389, %parallel_loop3A_356] : memref<96x128xf32, #tpu.memory_space<vmem>>[vector<16xi32>, vector<16xi32>], vector<16xf32>,
          %parallel_loop3A_398 = arith.constant 0 : i32
          %parallel_loop3A_399 = arith.constant 0 : i32
          %parallel_loop3A_400 = tpu.memref_slice %run_scoped3A_8[%rem3A_250, %parallel_loop3A_398, %parallel_loop3A_399] : memref<2x96x128xf32, #tpu.memory_space<vmem>> -> memref<1x96x128xf32, #tpu.memory_space<vmem>>
          %parallel_loop3A_401 = tpu.memref_squeeze %parallel_loop3A_400 : memref<1x96x128xf32, #tpu.memory_space<vmem>> -> memref<96x128xf32, #tpu.memory_space<vmem>>
          %parallel_loop3A_402 = tpu.vector_load_idx %parallel_loop3A_401[%parallel_loop3A_392, %parallel_loop3A_356] : memref<96x128xf32, #tpu.memory_space<vmem>>[vector<16xi32>, vector<16xi32>], vector<16xf32>,
          %parallel_loop3A_403 = arith.addf %parallel_loop3A_397, %parallel_loop3A_402 : vector<16xf32>
          %parallel_loop3A_404 = arith.constant 0 : i32
          %parallel_loop3A_405 = arith.constant 0 : i32
          %parallel_loop3A_406 = tpu.memref_slice %run_scoped3A_10[%rem3A_252, %parallel_loop3A_404, %parallel_loop3A_405] : memref<2x128x128xf32, #tpu.memory_space<vmem>> -> memref<1x128x128xf32, #tpu.memory_space<vmem>>
          %parallel_loop3A_407 = tpu.memref_squeeze %parallel_loop3A_406 : memref<1x128x128xf32, #tpu.memory_space<vmem>> -> memref<128x128xf32, #tpu.memory_space<vmem>>
          tpu.vector_store_idx %parallel_loop3A_407[%parallel_loop3A_356, %parallel_loop3A_389], %parallel_loop3A_403 : memref<128x128xf32, #tpu.memory_space<vmem>>[vector<16xi32>, vector<16xi32>], vector<16xf32>,
          %parallel_loop3A_408 = arith.constant 48 : i32
          %parallel_loop3A_409 = vector.broadcast %parallel_loop3A_408 : i32 to vector<16xi32>
          %parallel_loop3A_410 = arith.addi %iota3A, %parallel_loop3A_409 : vector<16xi32>
          %parallel_loop3A_411 = arith.constant 16 : i32
          %parallel_loop3A_412 = vector.broadcast %parallel_loop3A_411 : i32 to vector<16xi32>
          %parallel_loop3A_413 = arith.addi %iota3A, %parallel_loop3A_412 : vector<16xi32>
          %parallel_loop3A_414 = arith.constant 0 : i32
          %parallel_loop3A_415 = arith.constant 0 : i32
          %parallel_loop3A_416 = tpu.memref_slice %run_scoped3A[%rem3A_248, %parallel_loop3A_414, %parallel_loop3A_415] : memref<2x96x128xf32, #tpu.memory_space<vmem>> -> memref<1x96x128xf32, #tpu.memory_space<vmem>>
          %parallel_loop3A_417 = tpu.memref_squeeze %parallel_loop3A_416 : memref<1x96x128xf32, #tpu.memory_space<vmem>> -> memref<96x128xf32, #tpu.memory_space<vmem>>
          %parallel_loop3A_418 = tpu.vector_load_idx %parallel_loop3A_417[%parallel_loop3A_410, %parallel_loop3A_356] : memref<96x128xf32, #tpu.memory_space<vmem>>[vector<16xi32>, vector<16xi32>], vector<16xf32>,
          %parallel_loop3A_419 = arith.constant 0 : i32
          %parallel_loop3A_420 = arith.constant 0 : i32
          %parallel_loop3A_421 = tpu.memref_slice %run_scoped3A_8[%rem3A_250, %parallel_loop3A_419, %parallel_loop3A_420] : memref<2x96x128xf32, #tpu.memory_space<vmem>> -> memref<1x96x128xf32, #tpu.memory_space<vmem>>
          %parallel_loop3A_422 = tpu.memref_squeeze %parallel_loop3A_421 : memref<1x96x128xf32, #tpu.memory_space<vmem>> -> memref<96x128xf32, #tpu.memory_space<vmem>>
          %parallel_loop3A_423 = tpu.vector_load_idx %parallel_loop3A_422[%parallel_loop3A_413, %parallel_loop3A_356] : memref<96x128xf32, #tpu.memory_space<vmem>>[vector<16xi32>, vector<16xi32>], vector<16xf32>,
          %parallel_loop3A_424 = arith.addf %parallel_loop3A_418, %parallel_loop3A_423 : vector<16xf32>
          %parallel_loop3A_425 = arith.constant 0 : i32
          %parallel_loop3A_426 = arith.constant 0 : i32
          %parallel_loop3A_427 = tpu.memref_slice %run_scoped3A_10[%rem3A_252, %parallel_loop3A_425, %parallel_loop3A_426] : memref<2x128x128xf32, #tpu.memory_space<vmem>> -> memref<1x128x128xf32, #tpu.memory_space<vmem>>
          %parallel_loop3A_428 = tpu.memref_squeeze %parallel_loop3A_427 : memref<1x128x128xf32, #tpu.memory_space<vmem>> -> memref<128x128xf32, #tpu.memory_space<vmem>>
          tpu.vector_store_idx %parallel_loop3A_428[%parallel_loop3A_356, %parallel_loop3A_410], %parallel_loop3A_424 : memref<128x128xf32, #tpu.memory_space<vmem>>[vector<16xi32>, vector<16xi32>], vector<16xf32>,
          %parallel_loop3A_429 = arith.constant 64 : i32
          %parallel_loop3A_430 = vector.broadcast %parallel_loop3A_429 : i32 to vector<16xi32>
          %parallel_loop3A_431 = arith.addi %iota3A, %parallel_loop3A_430 : vector<16xi32>
          %parallel_loop3A_432 = arith.constant 32 : i32
          %parallel_loop3A_433 = vector.broadcast %parallel_loop3A_432 : i32 to vector<16xi32>
          %parallel_loop3A_434 = arith.addi %iota3A, %parallel_loop3A_433 : vector<16xi32>
          %parallel_loop3A_435 = arith.constant 0 : i32
          %parallel_loop3A_436 = arith.constant 0 : i32
          %parallel_loop3A_437 = tpu.memref_slice %run_scoped3A[%rem3A_248, %parallel_loop3A_435, %parallel_loop3A_436] : memref<2x96x128xf32, #tpu.memory_space<vmem>> -> memref<1x96x128xf32, #tpu.memory_space<vmem>>
          %parallel_loop3A_438 = tpu.memref_squeeze %parallel_loop3A_437 : memref<1x96x128xf32, #tpu.memory_space<vmem>> -> memref<96x128xf32, #tpu.memory_space<vmem>>
          %parallel_loop3A_439 = tpu.vector_load_idx %parallel_loop3A_438[%parallel_loop3A_431, %parallel_loop3A_356] : memref<96x128xf32, #tpu.memory_space<vmem>>[vector<16xi32>, vector<16xi32>], vector<16xf32>,
          %parallel_loop3A_440 = arith.constant 0 : i32
          %parallel_loop3A_441 = arith.constant 0 : i32
          %parallel_loop3A_442 = tpu.memref_slice %run_scoped3A_8[%rem3A_250, %parallel_loop3A_440, %parallel_loop3A_441] : memref<2x96x128xf32, #tpu.memory_space<vmem>> -> memref<1x96x128xf32, #tpu.memory_space<vmem>>
          %parallel_loop3A_443 = tpu.memref_squeeze %parallel_loop3A_442 : memref<1x96x128xf32, #tpu.memory_space<vmem>> -> memref<96x128xf32, #tpu.memory_space<vmem>>
          %parallel_loop3A_444 = tpu.vector_load_idx %parallel_loop3A_443[%parallel_loop3A_434, %parallel_loop3A_356] : memref<96x128xf32, #tpu.memory_space<vmem>>[vector<16xi32>, vector<16xi32>], vector<16xf32>,
          %parallel_loop3A_445 = arith.addf %parallel_loop3A_439, %parallel_loop3A_444 : vector<16xf32>
          %parallel_loop3A_446 = arith.constant 0 : i32
          %parallel_loop3A_447 = arith.constant 0 : i32
          %parallel_loop3A_448 = tpu.memref_slice %run_scoped3A_10[%rem3A_252, %parallel_loop3A_446, %parallel_loop3A_447] : memref<2x128x128xf32, #tpu.memory_space<vmem>> -> memref<1x128x128xf32, #tpu.memory_space<vmem>>
          %parallel_loop3A_449 = tpu.memref_squeeze %parallel_loop3A_448 : memref<1x128x128xf32, #tpu.memory_space<vmem>> -> memref<128x128xf32, #tpu.memory_space<vmem>>
          tpu.vector_store_idx %parallel_loop3A_449[%parallel_loop3A_356, %parallel_loop3A_431], %parallel_loop3A_445 : memref<128x128xf32, #tpu.memory_space<vmem>>[vector<16xi32>, vector<16xi32>], vector<16xf32>,
          %parallel_loop3A_450 = arith.constant 80 : i32
          %parallel_loop3A_451 = vector.broadcast %parallel_loop3A_450 : i32 to vector<16xi32>
          %parallel_loop3A_452 = arith.addi %iota3A, %parallel_loop3A_451 : vector<16xi32>
          %parallel_loop3A_453 = arith.constant 48 : i32
          %parallel_loop3A_454 = vector.broadcast %parallel_loop3A_453 : i32 to vector<16xi32>
          %parallel_loop3A_455 = arith.addi %iota3A, %parallel_loop3A_454 : vector<16xi32>
          %parallel_loop3A_456 = arith.constant 0 : i32
          %parallel_loop3A_457 = arith.constant 0 : i32
          %parallel_loop3A_458 = tpu.memref_slice %run_scoped3A[%rem3A_248, %parallel_loop3A_456, %parallel_loop3A_457] : memref<2x96x128xf32, #tpu.memory_space<vmem>> -> memref<1x96x128xf32, #tpu.memory_space<vmem>>
          %parallel_loop3A_459 = tpu.memref_squeeze %parallel_loop3A_458 : memref<1x96x128xf32, #tpu.memory_space<vmem>> -> memref<96x128xf32, #tpu.memory_space<vmem>>
          %parallel_loop3A_460 = tpu.vector_load_idx %parallel_loop3A_459[%parallel_loop3A_452, %parallel_loop3A_356] : memref<96x128xf32, #tpu.memory_space<vmem>>[vector<16xi32>, vector<16xi32>], vector<16xf32>,
          %parallel_loop3A_461 = arith.constant 0 : i32
          %parallel_loop3A_462 = arith.constant 0 : i32
          %parallel_loop3A_463 = tpu.memref_slice %run_scoped3A_8[%rem3A_250, %parallel_loop3A_461, %parallel_loop3A_462] : memref<2x96x128xf32, #tpu.memory_space<vmem>> -> memref<1x96x128xf32, #tpu.memory_space<vmem>>
          %parallel_loop3A_464 = tpu.memref_squeeze %parallel_loop3A_463 : memref<1x96x128xf32, #tpu.memory_space<vmem>> -> memref<96x128xf32, #tpu.memory_space<vmem>>
          %parallel_loop3A_465 = tpu.vector_load_idx %parallel_loop3A_464[%parallel_loop3A_455, %parallel_loop3A_356] : memref<96x128xf32, #tpu.memory_space<vmem>>[vector<16xi32>, vector<16xi32>], vector<16xf32>,
          %parallel_loop3A_466 = arith.addf %parallel_loop3A_460, %parallel_loop3A_465 : vector<16xf32>
          %parallel_loop3A_467 = arith.constant 0 : i32
          %parallel_loop3A_468 = arith.constant 0 : i32
          %parallel_loop3A_469 = tpu.memref_slice %run_scoped3A_10[%rem3A_252, %parallel_loop3A_467, %parallel_loop3A_468] : memref<2x128x128xf32, #tpu.memory_space<vmem>> -> memref<1x128x128xf32, #tpu.memory_space<vmem>>
          %parallel_loop3A_470 = tpu.memref_squeeze %parallel_loop3A_469 : memref<1x128x128xf32, #tpu.memory_space<vmem>> -> memref<128x128xf32, #tpu.memory_space<vmem>>
          tpu.vector_store_idx %parallel_loop3A_470[%parallel_loop3A_356, %parallel_loop3A_452], %parallel_loop3A_466 : memref<128x128xf32, #tpu.memory_space<vmem>>[vector<16xi32>, vector<16xi32>], vector<16xf32>,
          %parallel_loop3A_471 = arith.constant 96 : i32
          %parallel_loop3A_472 = vector.broadcast %parallel_loop3A_471 : i32 to vector<16xi32>
          %parallel_loop3A_473 = arith.addi %iota3A, %parallel_loop3A_472 : vector<16xi32>
          %parallel_loop3A_474 = arith.constant 64 : i32
          %parallel_loop3A_475 = vector.broadcast %parallel_loop3A_474 : i32 to vector<16xi32>
          %parallel_loop3A_476 = arith.addi %iota3A, %parallel_loop3A_475 : vector<16xi32>
          %parallel_loop3A_477 = arith.constant 0 : i32
          %parallel_loop3A_478 = arith.constant 0 : i32
          %parallel_loop3A_479 = tpu.memref_slice %run_scoped3A_8[%rem3A_250, %parallel_loop3A_477, %parallel_loop3A_478] : memref<2x96x128xf32, #tpu.memory_space<vmem>> -> memref<1x96x128xf32, #tpu.memory_space<vmem>>
          %parallel_loop3A_480 = tpu.memref_squeeze %parallel_loop3A_479 : memref<1x96x128xf32, #tpu.memory_space<vmem>> -> memref<96x128xf32, #tpu.memory_space<vmem>>
          %parallel_loop3A_481 = tpu.vector_load_idx %parallel_loop3A_480[%parallel_loop3A_476, %parallel_loop3A_356] : memref<96x128xf32, #tpu.memory_space<vmem>>[vector<16xi32>, vector<16xi32>], vector<16xf32>,
          %parallel_loop3A_482 = arith.constant 0 : i32
          %parallel_loop3A_483 = arith.constant 0 : i32
          %parallel_loop3A_484 = tpu.memref_slice %run_scoped3A_10[%rem3A_252, %parallel_loop3A_482, %parallel_loop3A_483] : memref<2x128x128xf32, #tpu.memory_space<vmem>> -> memref<1x128x128xf32, #tpu.memory_space<vmem>>
          %parallel_loop3A_485 = tpu.memref_squeeze %parallel_loop3A_484 : memref<1x128x128xf32, #tpu.memory_space<vmem>> -> memref<128x128xf32, #tpu.memory_space<vmem>>
          tpu.vector_store_idx %parallel_loop3A_485[%parallel_loop3A_356, %parallel_loop3A_473], %parallel_loop3A_481 : memref<128x128xf32, #tpu.memory_space<vmem>>[vector<16xi32>, vector<16xi32>], vector<16xf32>,
          %parallel_loop3A_486 = arith.constant 112 : i32
          %parallel_loop3A_487 = vector.broadcast %parallel_loop3A_486 : i32 to vector<16xi32>
          %parallel_loop3A_488 = arith.addi %iota3A, %parallel_loop3A_487 : vector<16xi32>
          %parallel_loop3A_489 = arith.constant 80 : i32
          %parallel_loop3A_490 = vector.broadcast %parallel_loop3A_489 : i32 to vector<16xi32>
          %parallel_loop3A_491 = arith.addi %iota3A, %parallel_loop3A_490 : vector<16xi32>
          %parallel_loop3A_492 = arith.constant 0 : i32
          %parallel_loop3A_493 = arith.constant 0 : i32
          %parallel_loop3A_494 = tpu.memref_slice %run_scoped3A_8[%rem3A_250, %parallel_loop3A_492, %parallel_loop3A_493] : memref<2x96x128xf32, #tpu.memory_space<vmem>> -> memref<1x96x128xf32, #tpu.memory_space<vmem>>
          %parallel_loop3A_495 = tpu.memref_squeeze %parallel_loop3A_494 : memref<1x96x128xf32, #tpu.memory_space<vmem>> -> memref<96x128xf32, #tpu.memory_space<vmem>>
          %parallel_loop3A_496 = tpu.vector_load_idx %parallel_loop3A_495[%parallel_loop3A_491, %parallel_loop3A_356] : memref<96x128xf32, #tpu.memory_space<vmem>>[vector<16xi32>, vector<16xi32>], vector<16xf32>,
          %parallel_loop3A_497 = arith.constant 0 : i32
          %parallel_loop3A_498 = arith.constant 0 : i32
          %parallel_loop3A_499 = tpu.memref_slice %run_scoped3A_10[%rem3A_252, %parallel_loop3A_497, %parallel_loop3A_498] : memref<2x128x128xf32, #tpu.memory_space<vmem>> -> memref<1x128x128xf32, #tpu.memory_space<vmem>>
          %parallel_loop3A_500 = tpu.memref_squeeze %parallel_loop3A_499 : memref<1x128x128xf32, #tpu.memory_space<vmem>> -> memref<128x128xf32, #tpu.memory_space<vmem>>
          tpu.vector_store_idx %parallel_loop3A_500[%parallel_loop3A_356, %parallel_loop3A_488], %parallel_loop3A_496 : memref<128x128xf32, #tpu.memory_space<vmem>>[vector<16xi32>, vector<16xi32>], vector<16xf32>,
        } {sc.loop_unroll_factor = 2 : i64, sc.parallel_access}
        "tpu.trace_stop"() : () -> ()
        %ne3A_255 = arith.cmpi ne, %add3A_161, %add3A_179 : i32
        %or3A_256 = arith.constant false
        %or3A_257 = arith.ori %or3A_256, %ne3A_255 : i1
        %or3A_258 = arith.ori %or3A_257, %eq3A_160 : i1
        %convert_element_type3A_259 = arith.extui %or3A_258 : i1 to i32
        %cond3A_260 = arith.constant 0 : i32
        %cond3A_261 = arith.cmpi ne, %convert_element_type3A_259, %cond3A_260 : i32
        scf.if %cond3A_261 {
        } else {
        }
        %and3A_262 = arith.constant false
        %and3A_263 = arith.andi %or3A_258, %and3A_262 : i1
        %ne3A_264 = arith.cmpi ne, %add3A_161, %add3A_179 : i32
        %or3A_265 = arith.constant false
        %or3A_266 = arith.ori %or3A_265, %ne3A_264 : i1
        %or3A_267 = arith.ori %or3A_266, %eq3A_160 : i1
        %convert_element_type3A_268 = arith.extui %or3A_267 : i1 to i32
        %cond3A_269 = arith.constant 0 : i32
        %cond3A_270 = arith.cmpi ne, %convert_element_type3A_268, %cond3A_269 : i32
        scf.if %cond3A_270 {
        } else {
        }
        %and3A_271 = arith.constant false
        %and3A_272 = arith.andi %or3A_267, %and3A_271 : i1
        %ne3A_273 = arith.cmpi ne, %add3A_161, %add3A_179 : i32
        %or3A_274 = arith.constant false
        %or3A_275 = arith.ori %or3A_274, %ne3A_273 : i1
        %or3A_276 = arith.constant false
        %or3A_277 = arith.ori %or3A_275, %or3A_276 : i1
        %or3A_278 = arith.ori %or3A_277, %eq3A_160 : i1
        %convert_element_type3A_279 = arith.extui %or3A_278 : i1 to i32
        %cond3A_280 = arith.constant 0 : i32
        %cond3A_281 = arith.cmpi ne, %convert_element_type3A_279, %cond3A_280 : i32
        scf.if %cond3A_281 {
          "tpu.trace_start"() <{level = 10 : i32, message = "ep_copy_out"}> : () -> ()
          %rem3A_347 = arith.constant 2 : i32
          %rem3A_348 = arith.remui %scan3A_154, %rem3A_347 : i32
          %mul3A_349 = arith.constant 128 : i32
          %mul3A_350 = arith.muli %mul3A_349, %add3A_161 : i32
          %dma_start3A_351 = arith.constant 0 : i32
          %dma_start3A_352 = arith.constant 0 : i32
          %dma_start3A_353 = tpu.memref_slice %run_scoped3A_10[%rem3A_348, %dma_start3A_351, %dma_start3A_352] : memref<2x128x128xf32, #tpu.memory_space<vmem>> -> memref<1x128x128xf32, #tpu.memory_space<vmem>>
          %dma_start3A_354 = tpu.memref_squeeze %dma_start3A_353 : memref<1x128x128xf32, #tpu.memory_space<vmem>> -> memref<128x128xf32, #tpu.memory_space<vmem>>
          %dma_start3A_355 = arith.constant 0 : i32
          %dma_start3A_356 = tpu.memref_slice %arg4[%mul3A_350, %dma_start3A_355] : memref<262144x128xf32, #tpu.memory_space<hbm>> -> memref<128x128xf32, #tpu.memory_space<hbm>>
          %dma_start3A_357 = tpu.memref_slice %run_scoped3A_11[%rem3A_348] : memref<2x!tpu.dma_semaphore, #tpu.memory_space<semaphore_mem>> -> memref<1x!tpu.dma_semaphore, #tpu.memory_space<semaphore_mem>>
          %dma_start3A_358 = tpu.memref_squeeze %dma_start3A_357 : memref<1x!tpu.dma_semaphore, #tpu.memory_space<semaphore_mem>> -> memref<!tpu.dma_semaphore, #tpu.memory_space<semaphore_mem>>
          %dma_start3A_359 = arith.constant 0 : i32
          %dma_start3A_360 = tpu.memref_slice %arg4[%mul3A_350, %dma_start3A_359] : memref<262144x128xf32, #tpu.memory_space<hbm>> -> memref<128x128xf32, #tpu.memory_space<hbm>>
          %dma_start3A_361 = arith.constant 0 : i32
          %dma_start3A_362 = arith.constant 0 : i32
          %dma_start3A_363 = tpu.memref_slice %run_scoped3A_10[%rem3A_348, %dma_start3A_361, %dma_start3A_362] : memref<2x128x128xf32, #tpu.memory_space<vmem>> -> memref<1x128x128xf32, #tpu.memory_space<vmem>>
          %dma_start3A_364 = tpu.memref_squeeze %dma_start3A_363 : memref<1x128x128xf32, #tpu.memory_space<vmem>> -> memref<128x128xf32, #tpu.memory_space<vmem>>
          tpu.enqueue_dma source(%dma_start3A_364 : memref<128x128xf32, #tpu.memory_space<vmem>>) target(%dma_start3A_360 : memref<128x128xf32, #tpu.memory_space<hbm>>) target_semaphore(%dma_start3A_358 : memref<!tpu.dma_semaphore, #tpu.memory_space<semaphore_mem>>)
          "tpu.trace_stop"() : () -> ()
        } else {
        }
        %and3A_282 = arith.constant true
        %and3A_283 = arith.andi %or3A_278, %and3A_282 : i1
        %add3A_284 = arith.constant 1 : i32
        %add3A_285 = arith.addi %scan3A_154, %add3A_284 : i32
        %select_n3A_286 = arith.select %and3A_283, %add3A_285, %scan3A_154 : i32
        %ne3A_287 = arith.cmpi ne, %add3A_161, %add3A_170 : i32
        %or3A_288 = arith.constant false
        %or3A_289 = arith.ori %or3A_288, %ne3A_287 : i1
        %not3A_290 = arith.constant true
        %not3A_291 = arith.xori %eq3A_158, %not3A_290 : i1
        %and3A_292 = arith.andi %or3A_289, %not3A_291 : i1
        %convert_element_type3A_293 = arith.extui %and3A_292 : i1 to i32
        %cond3A_294 = arith.constant 0 : i32
        %cond3A_295 = arith.cmpi ne, %convert_element_type3A_293, %cond3A_294 : i32
        scf.if %cond3A_295 {
        } else {
        }
        %and3A_296 = arith.constant false
        %and3A_297 = arith.andi %and3A_292, %and3A_296 : i1
        %ne3A_298 = arith.cmpi ne, %add3A_161, %add3A_170 : i32
        %or3A_299 = arith.constant false
        %or3A_300 = arith.ori %or3A_299, %ne3A_298 : i1
        %not3A_301 = arith.constant true
        %not3A_302 = arith.xori %eq3A_158, %not3A_301 : i1
        %and3A_303 = arith.andi %or3A_300, %not3A_302 : i1
        %convert_element_type3A_304 = arith.extui %and3A_303 : i1 to i32
        %cond3A_305 = arith.constant 0 : i32
        %cond3A_306 = arith.cmpi ne, %convert_element_type3A_304, %cond3A_305 : i32
        scf.if %cond3A_306 {
        } else {
        }
        %and3A_307 = arith.constant false
        %and3A_308 = arith.andi %and3A_303, %and3A_307 : i1
        %ne3A_309 = arith.cmpi ne, %add3A_161, %add3A_170 : i32
        %or3A_310 = arith.constant false
        %or3A_311 = arith.ori %or3A_310, %ne3A_309 : i1
        %or3A_312 = arith.constant false
        %or3A_313 = arith.ori %or3A_311, %or3A_312 : i1
        %not3A_314 = arith.constant true
        %not3A_315 = arith.xori %eq3A_158, %not3A_314 : i1
        %and3A_316 = arith.andi %or3A_313, %not3A_315 : i1
        %convert_element_type3A_317 = arith.extui %and3A_316 : i1 to i32
        %cond3A_318 = arith.constant 0 : i32
        %cond3A_319 = arith.cmpi ne, %convert_element_type3A_317, %cond3A_318 : i32
        scf.if %cond3A_319 {
          "tpu.trace_start"() <{level = 10 : i32, message = "ep_wait_out"}> : () -> ()
          %rem3A_347 = arith.constant 2 : i32
          %rem3A_348 = arith.remui %scan3A_155, %rem3A_347 : i32
          %mul3A_349 = arith.constant 128 : i32
          %mul3A_350 = arith.muli %mul3A_349, %add3A_170 : i32
          %dma_wait3A_351 = arith.constant 0 : i32
          %dma_wait3A_352 = arith.constant 0 : i32
          %dma_wait3A_353 = tpu.memref_slice %run_scoped3A_10[%rem3A_348, %dma_wait3A_351, %dma_wait3A_352] : memref<2x128x128xf32, #tpu.memory_space<vmem>> -> memref<1x128x128xf32, #tpu.memory_space<vmem>>
          %dma_wait3A_354 = tpu.memref_squeeze %dma_wait3A_353 : memref<1x128x128xf32, #tpu.memory_space<vmem>> -> memref<128x128xf32, #tpu.memory_space<vmem>>
          %dma_wait3A_355 = arith.constant 0 : i32
          %dma_wait3A_356 = tpu.memref_slice %arg4[%mul3A_350, %dma_wait3A_355] : memref<262144x128xf32, #tpu.memory_space<hbm>> -> memref<128x128xf32, #tpu.memory_space<hbm>>
          %dma_wait3A_357 = tpu.memref_slice %run_scoped3A_11[%rem3A_348] : memref<2x!tpu.dma_semaphore, #tpu.memory_space<semaphore_mem>> -> memref<1x!tpu.dma_semaphore, #tpu.memory_space<semaphore_mem>>
          %dma_wait3A_358 = tpu.memref_squeeze %dma_wait3A_357 : memref<1x!tpu.dma_semaphore, #tpu.memory_space<semaphore_mem>> -> memref<!tpu.dma_semaphore, #tpu.memory_space<semaphore_mem>>
          %dma_wait3A_359 = arith.constant 0 : i32
          %dma_wait3A_360 = tpu.memref_slice %arg4[%mul3A_350, %dma_wait3A_359] : memref<262144x128xf32, #tpu.memory_space<hbm>> -> memref<128x128xf32, #tpu.memory_space<hbm>>
          %dma_wait3A_361 = arith.constant 0 : i32
          %dma_wait3A_362 = arith.constant 0 : i32
          %dma_wait3A_363 = tpu.memref_slice %run_scoped3A_10[%rem3A_348, %dma_wait3A_361, %dma_wait3A_362] : memref<2x128x128xf32, #tpu.memory_space<vmem>> -> memref<1x128x128xf32, #tpu.memory_space<vmem>>
          %dma_wait3A_364 = tpu.memref_squeeze %dma_wait3A_363 : memref<1x128x128xf32, #tpu.memory_space<vmem>> -> memref<128x128xf32, #tpu.memory_space<vmem>>
          tpu.wait_dma2 semaphore(%dma_wait3A_358 : memref<!tpu.dma_semaphore, #tpu.memory_space<semaphore_mem>>) src(%dma_wait3A_364 : memref<128x128xf32, #tpu.memory_space<vmem>>) dst(%dma_wait3A_360 : memref<128x128xf32, #tpu.memory_space<hbm>>)
          "tpu.trace_stop"() : () -> ()
        } else {
        }
        %and3A_320 = arith.constant true
        %and3A_321 = arith.andi %and3A_316, %and3A_320 : i1
        %add3A_322 = arith.constant 1 : i32
        %add3A_323 = arith.addi %scan3A_155, %add3A_322 : i32
        %select_n3A_324 = arith.select %and3A_321, %add3A_323, %scan3A_155 : i32
        %ne3A_325 = arith.cmpi ne, %add3A_161, %add3A_179 : i32
        %or3A_326 = arith.constant false
        %or3A_327 = arith.ori %or3A_326, %ne3A_325 : i1
        %or3A_328 = arith.ori %or3A_327, %eq3A_160 : i1
        %add3A_329 = arith.constant 1 : i32
        %add3A_330 = arith.addi %scan3A_151, %add3A_329 : i32
        %select_n3A_331 = arith.select %or3A_328, %add3A_330, %scan3A_151 : i32
        %ne3A_332 = arith.cmpi ne, %add3A_161, %add3A_179 : i32
        %or3A_333 = arith.constant false
        %or3A_334 = arith.ori %or3A_333, %ne3A_332 : i1
        %or3A_335 = arith.ori %or3A_334, %eq3A_160 : i1
        %add3A_336 = arith.constant 1 : i32
        %add3A_337 = arith.addi %scan3A_153, %add3A_336 : i32
        %select_n3A_338 = arith.select %or3A_335, %add3A_337, %scan3A_153 : i32
        %add3A_339 = arith.constant 1 : i32
        %add3A_340 = arith.addi %scan3A_156, %add3A_339 : i32
        %select_n3A_341 = arith.constant true
        %select_n3A_342 = arith.select %select_n3A_341, %add3A_340, %scan3A_156 : i32
        %eq3A_343 = arith.constant 64 : i32
        %eq3A_344 = arith.cmpi eq, %select_n3A_342, %eq3A_343 : i32
        %select_n3A_345 = arith.constant 0 : i32
        %select_n3A_346 = arith.select %eq3A_344, %select_n3A_345, %select_n3A_342 : i32
        scf.yield %select_n3A_197, %select_n3A_331, %select_n3A_213, %select_n3A_338, %select_n3A_286, %select_n3A_324, %select_n3A_346 : i32, i32, i32, i32, i32, i32, i32
      }
      %scan3A_96 = arith.constant 64 : i32
      %sub3A = arith.constant 1 : i32
      %sub3A_97 = arith.subi %scan3A_95#6, %sub3A : i32
      %select_n3A_98 = arith.constant true
      %select_n3A_99 = arith.select %select_n3A_98, %sub3A_97, %scan3A_95#6 : i32
      %eq3A_100 = arith.constant -1 : i32
      %eq3A_101 = arith.cmpi eq, %select_n3A_99, %eq3A_100 : i32
      %select_n3A_102 = arith.constant 63 : i32
      %select_n3A_103 = arith.select %eq3A_101, %select_n3A_102, %select_n3A_99 : i32
      %add3A_104 = arith.addi %select_n3A_103, %mul3A_6 : i32
      %sub3A_105 = arith.constant 1 : i32
      %sub3A_106 = arith.subi %select_n3A_103, %sub3A_105 : i32
      %select_n3A_107 = arith.constant true
      %select_n3A_108 = arith.select %select_n3A_107, %sub3A_106, %select_n3A_103 : i32
      %eq3A_109 = arith.constant -1 : i32
      %eq3A_110 = arith.cmpi eq, %select_n3A_108, %eq3A_109 : i32
      %select_n3A_111 = arith.constant 63 : i32
      %select_n3A_112 = arith.select %eq3A_110, %select_n3A_111, %select_n3A_108 : i32
      %add3A_113 = arith.addi %select_n3A_112, %mul3A_6 : i32
      %add3A_114 = arith.constant 1 : i32
      %add3A_115 = arith.addi %select_n3A_103, %add3A_114 : i32
      %select_n3A_116 = arith.constant true
      %select_n3A_117 = arith.select %select_n3A_116, %add3A_115, %select_n3A_103 : i32
      %eq3A_118 = arith.constant 64 : i32
      %eq3A_119 = arith.cmpi eq, %select_n3A_117, %eq3A_118 : i32
      %select_n3A_120 = arith.constant 0 : i32
      %select_n3A_121 = arith.select %eq3A_119, %select_n3A_120, %select_n3A_117 : i32
      %add3A_122 = arith.addi %select_n3A_121, %mul3A_6 : i32
      %add3A_123 = arith.constant 1 : i32
      %add3A_124 = arith.addi %select_n3A_121, %add3A_123 : i32
      %select_n3A_125 = arith.constant true
      %select_n3A_126 = arith.select %select_n3A_125, %add3A_124, %select_n3A_121 : i32
      %eq3A_127 = arith.constant 64 : i32
      %eq3A_128 = arith.cmpi eq, %select_n3A_126, %eq3A_127 : i32
      %select_n3A_129 = arith.constant 0 : i32
      %select_n3A_130 = arith.select %eq3A_128, %select_n3A_129, %select_n3A_126 : i32
      %add3A_131 = arith.addi %select_n3A_130, %mul3A_6 : i32
      "tpu.trace_start"() <{level = 10 : i32, message = "ep_finalize"}> : () -> ()
      %rem3A_132 = arith.constant 2 : i32
      %rem3A_133 = arith.remui %scan3A_95#5, %rem3A_132 : i32
      %mul3A_134 = arith.constant 128 : i32
      %mul3A_135 = arith.muli %mul3A_134, %add3A_104 : i32
      %dma_wait3A = arith.constant 0 : i32
      %dma_wait3A_136 = arith.constant 0 : i32
      %dma_wait3A_137 = tpu.memref_slice %run_scoped3A_10[%rem3A_133, %dma_wait3A, %dma_wait3A_136] : memref<2x128x128xf32, #tpu.memory_space<vmem>> -> memref<1x128x128xf32, #tpu.memory_space<vmem>>
      %dma_wait3A_138 = tpu.memref_squeeze %dma_wait3A_137 : memref<1x128x128xf32, #tpu.memory_space<vmem>> -> memref<128x128xf32, #tpu.memory_space<vmem>>
      %dma_wait3A_139 = arith.constant 0 : i32
      %dma_wait3A_140 = tpu.memref_slice %arg4[%mul3A_135, %dma_wait3A_139] : memref<262144x128xf32, #tpu.memory_space<hbm>> -> memref<128x128xf32, #tpu.memory_space<hbm>>
      %dma_wait3A_141 = tpu.memref_slice %run_scoped3A_11[%rem3A_133] : memref<2x!tpu.dma_semaphore, #tpu.memory_space<semaphore_mem>> -> memref<1x!tpu.dma_semaphore, #tpu.memory_space<semaphore_mem>>
      %dma_wait3A_142 = tpu.memref_squeeze %dma_wait3A_141 : memref<1x!tpu.dma_semaphore, #tpu.memory_space<semaphore_mem>> -> memref<!tpu.dma_semaphore, #tpu.memory_space<semaphore_mem>>
      %dma_wait3A_143 = arith.constant 0 : i32
      %dma_wait3A_144 = tpu.memref_slice %arg4[%mul3A_135, %dma_wait3A_143] : memref<262144x128xf32, #tpu.memory_space<hbm>> -> memref<128x128xf32, #tpu.memory_space<hbm>>
      %dma_wait3A_145 = arith.constant 0 : i32
      %dma_wait3A_146 = arith.constant 0 : i32
      %dma_wait3A_147 = tpu.memref_slice %run_scoped3A_10[%rem3A_133, %dma_wait3A_145, %dma_wait3A_146] : memref<2x128x128xf32, #tpu.memory_space<vmem>> -> memref<1x128x128xf32, #tpu.memory_space<vmem>>
      %dma_wait3A_148 = tpu.memref_squeeze %dma_wait3A_147 : memref<1x128x128xf32, #tpu.memory_space<vmem>> -> memref<128x128xf32, #tpu.memory_space<vmem>>
      tpu.wait_dma2 semaphore(%dma_wait3A_142 : memref<!tpu.dma_semaphore, #tpu.memory_space<semaphore_mem>>) src(%dma_wait3A_148 : memref<128x128xf32, #tpu.memory_space<vmem>>) dst(%dma_wait3A_144 : memref<128x128xf32, #tpu.memory_space<hbm>>)
      "tpu.trace_stop"() : () -> ()
      tpu.yield
    }) : () -> ()
    return
  }
}

</mosaic_0001>

<sc_bundles>
// kernel: kernel.3.cloned.1.call-start
scs
__scs_entry_jumppad:
0x0: {  	(pc) =	sbr.rel $0x88, $3  }
0x1: {  	(tag) =	ssettag $0x0;
	lr =	simm.s32 $0x1  }
0x2: {  	[smem:$0x3F9F] =	sst lr;
	_ =	strace $0xD0000000  }
0x3: {  	_ = 	snop  }
0x4: {  	_ = 	snop  }
0x5: {  	_ = 	snop  }
0x6: {  	_ = 	snop  }
0x7: {  	_ = 	snop  }
__scs_overlays_trampoline_lowered:
0x8: {  	[smem:$0x3FAE] =	sst s0  }
0x9: {  	[smem:$0x3FAF] =	sst s1  }
0xa: {  	[smem:$0x3FB0] =	sst s2  }
0xb: {  	[smem:$0x3FB1] =	sst s3  }
0xc: {  	[smem:$0x3FB2] =	sst s4  }
0xd: {  	[smem:$0x3FB3] =	sst s5  }
0xe: {  	[smem:$0x3FB4] =	sst s6  }
0xf: {  	[smem:$0x3FB5] =	sst s7  }
0x10: {  	[smem:$0x3FB6] =	sst s8  }
0x11: {  	[smem:$0x3FB7] =	sst s9;
	s0 =	simm.s32 @!p0 $0x0  }
0x12: {  	s1 =	sld [smem:$0x3F9D];
	s0 =	simm.s32 @p0 $0x1  }
0x13: {  	[smem:$0x3FB8] =	sst s0;
	s0 =	simm.s32 @!p1 $0x0  }
0x14: {  	s2 =	sld [smem:$0x3F9C];
	s0 =	simm.s32 @p1 $0x1  }
0x15: {  	[smem:$0x3FB9] =	sst s0;
	s0 =	simm.s32 @!p2 $0x0  }
0x16: {  	s3 =	sld [smem:$0x3FDB];
	s0 =	simm.s32 @p2 $0x1  }
0x17: {  	s4 =	simm.s32 $0x1BF5;
	[smem:$0x3FBB] =	sst s0  }
0x18: {  	s0 =	sld [smem:$0x3F9E];
	_ =	swait.ge [sflag:s4], $0x0  }
0x19: {  	s7 =	sld [smem:$0x3F9F]  }
0x1a: {  	s8 =	sadd.s32 $0xFFFFE003, lr  }
0x1b: {  	s9 =	sadd.s32 $0xFFFFFEF7, lr;
	s5 =	simm.s32 $0xFFFFFFFF;
	p2 =	slt.u32 s8, $0xFFFFF086  }
0x1c: {  	p1 =	slt.u32 s9, $0xF7A;
	s5 =	simm.s32 @!p2 $0x0  }
0x1d: {  	s5 =	simm.s32 @p1 $0x1;
	p0 =	seq.s32 s7, s2  }
0x1e: {  	s7 =	smul.u32 @!p0 $0xF7A, s2;
	p2 =	seq.s32 @!p0 s5, $0x0  }
0x1f: {  	s9 =	smul.u32 $0xF7A, s1;
	s8 =	simm.s32 @!p0 $0x1BF5;
	p2 =	por !p2, p0  }
0x20: {  	[sflag:s8] =	ssyncset.s32 @!p0 $0xFFFFF086;
	s6 =	sadd.s32 @!p0 s3, s7;
	s7 =	simm.s32 @!p0 $0x108  }
0x21: {  	s3 =	sadd.s32 s3, s9;
	s6 =	sadd.s32 @!p0 $0x88, s6;
	s7 =	simm.s32 @p2 $0x1082  }
0x22: {  	[simem:s7], [sflag:s8] =	dma.local @!p0 [hbm:s6], $0xF7A  }
0x23: {  	s9 =	sor.u32 $0xD0000000, s2;
	s6 =	simm.s32 $0x108;
	_ =	swait.ge @!p0 [sflag:s8], $0x0  }
0x24: {  	s3 =	sadd.s32 $0x88, s3;
	s6 =	simm.s32 @!p1 $0x1082;
	[sflag:s4] =	ssyncset.s32 $0xFFFFF086  }
0x25: {  	[simem:s6], [sflag:s4] =	dma.local [hbm:s3], $0xF7A  }
0x26: {  	[smem:$0x3F9F] =	sst s1;
	(tag) =	ssettag s2;
	_ =	strace s9  }
0x27: {  	s1 =	sld [smem:$0x3FAF]  }
0x28: {  	s2 =	sld [smem:$0x3FB0]  }
0x29: {  	s4 =	sld [smem:$0x3FB2]  }
0x2a: {  	p0 =	seq.s32 s5, $0x0;
	s5 =	sld [smem:$0x3FB3]  }
0x2b: {  	s6 =	sld [smem:$0x3FB4]  }
0x2c: {  	s7 =	sld [smem:$0x3FB5]  }
0x2d: {  	s3 =	simm.s32 $0x108;
	s8 =	sld [smem:$0x3FB6]  }
0x2e: {  	s3 =	simm.s32 @!p0 $0x1082;
	s9 =	sld [smem:$0x3FB7]  }
0x2f: {  	lr =	sadd.s32 s0, s3;
	s0 =	sld [smem:$0x3FAE]  }
0x30: {  	s3 =	sld [smem:$0x3FB1]  }
0x31: {  	[smem:$0x3FBA] =	sst s10  }
0x32: {  	s10 =	sld [smem:$0x3FB8];
	_ =	sdelay $0x3  }
0x33: {  	p0 =	seq.s32 s10, $0x1;
	s10 =	sld [smem:$0x3FBA];
	_ =	sdelay $0x3  }
0x34: {  	[smem:$0x3FBA] =	sst s10  }
0x35: {  	s10 =	sld [smem:$0x3FB9];
	_ =	sdelay $0x3  }
0x36: {  	p1 =	seq.s32 s10, $0x1;
	s10 =	sld [smem:$0x3FBA];
	_ =	sdelay $0x3  }
0x37: {  	[smem:$0x3FBA] =	sst s10  }
0x38: {  	s10 =	sld [smem:$0x3FBB]  }
0x39: {  	_ = 	snop;
	(pc) =	sbr.ind lr, $3  }
0x3a: {  	_ = 	snop  }
0x3b: {  	_ = 	snop  }
0x3c: {  	p2 =	seq.s32 s10, $0x1;
	s10 =	sld [smem:$0x3FBA]  }
0x3d: {  	_ =	shalt  }
0x3e: {  	_ =	shalt  }
0x3f: {  	_ =	shalt  }
0x40: {  	_ =	shalt  }
0x41: {  	_ =	shalt  }
0x42: {  	_ =	shalt  }
0x43: {  	_ =	shalt  }
0x44: {  	_ =	shalt  }
0x45: {  	_ =	shalt  }
0x46: {  	_ =	shalt  }
0x47: {  	_ =	shalt  }
0x48: {  	_ =	shalt  }
0x49: {  	_ =	shalt  }
0x4a: {  	_ =	shalt  }
0x4b: {  	_ =	shalt  }
0x4c: {  	_ =	shalt  }
0x4d: {  	_ =	shalt  }
0x4e: {  	_ =	shalt  }
0x4f: {  	_ =	shalt  }
0x50: {  	_ =	shalt  }
0x51: {  	_ =	shalt  }
0x52: {  	_ =	shalt  }
0x53: {  	_ =	shalt  }
0x54: {  	_ =	shalt  }
0x55: {  	_ =	shalt  }
0x56: {  	_ =	shalt  }
0x57: {  	_ =	shalt  }
0x58: {  	_ =	shalt  }
0x59: {  	_ =	shalt  }
0x5a: {  	_ =	shalt  }
0x5b: {  	_ =	shalt  }
0x5c: {  	_ =	shalt  }
0x5d: {  	_ =	shalt  }
0x5e: {  	_ =	shalt  }
0x5f: {  	_ =	shalt  }
0x60: {  	_ =	shalt  }
0x61: {  	_ =	shalt  }
0x62: {  	_ =	shalt  }
0x63: {  	_ =	shalt  }
0x64: {  	_ =	shalt  }
0x65: {  	_ =	shalt  }
0x66: {  	_ =	shalt  }
0x67: {  	_ =	shalt  }
0x68: {  	_ =	shalt  }
0x69: {  	_ =	shalt  }
0x6a: {  	_ =	shalt  }
0x6b: {  	_ =	shalt  }
0x6c: {  	_ =	shalt  }
0x6d: {  	_ =	shalt  }
0x6e: {  	_ =	shalt  }
0x6f: {  	_ =	shalt  }
0x70: {  	_ =	shalt  }
0x71: {  	_ =	shalt  }
0x72: {  	_ =	shalt  }
0x73: {  	_ =	shalt  }
0x74: {  	_ =	shalt  }
0x75: {  	_ =	shalt  }
0x76: {  	_ =	shalt  }
0x77: {  	_ =	shalt  }
0x78: {  	_ =	shalt  }
0x79: {  	_ =	shalt  }
0x7a: {  	_ =	shalt  }
0x7b: {  	_ =	shalt  }
0x7c: {  	_ =	shalt  }
0x7d: {  	_ =	shalt  }
0x7e: {  	_ =	shalt  }
0x7f: {  	_ =	shalt  }
0x80: {  	_ =	shalt  }
0x81: {  	_ =	shalt  }
0x82: {  	_ =	shalt  }
0x83: {  	_ =	shalt  }
0x84: {  	_ =	shalt  }
0x85: {  	_ =	shalt  }
0x86: {  	_ =	shalt  }
0x87: {  	_ =	shalt  }
.Lfunc_end0:
.L_simem_size_0:
called_computation_lowered:
.L_overlay_start_0:
0x88: {  	s2 =	sld [smem:$0x3FD9]  }
0x89: {  	s3 =	sld [smem:$0x3FFE];
	_ =	sdelay $0x1  }
0x8a: {  	s1 =	srdreg.scid  }
0x8b: {  	s0 =	sand.u32 $0x1, s1  }
0x8c: {  	s18 =	sshll.u32 s0, $0xA;
	s2 =	sadd.s32 s3, s2  }
0x8d: {  	s2 =	sadd.s32 s2, s18  }
0x8e: {  	[smem:$0x3FC6] =	sst s2  }
0x8f: {  	_ = 	snop  }
0x90: {  	s2 =	sld [smem:$0x3FC9]  }
0x91: {  	s19 =	sld [smem:$0x3FC8]  }
0x92: {  	s4 =	sld [smem:$0x3FD0];
	(tm) =	ssettm $0x1  }
0x93: {  	s5 =	sld [smem:$0x3FFB];
	_ =	sdelay $0x3  }
0x94: {  	_ =	strace s5  }
0x95: {  	s5 =	sld [smem:$0x3FFC];
	_ =	sdelay $0x3  }
0x96: {  	_ =	strace s5  }
0x97: {  	s5 =	sld [smem:$0x3FFD];
	_ =	sdelay $0x3  }
0x98: {  	_ =	strace s5  }
0x99: {  	_ =	strace $0x8FFFFFFF  }
0x9a: {  	s20 =	sld [smem:$0x3FDB];
	_ =	sdelay $0x1  }
0x9b: {  	s6 =	simm.s32 $_scs_section_size  }
0x9c: {  	s7 =	simm.s32 $_size__tile_overlayer_lowered;
	s8 =	simm.s32 $_tile_overlayer_lowered  }
0x9d: {  	s23 =	simm.s32 $0x1BFF;
	s22 =	sshll.u32 s8, $0x1;
	s5 =	sadd.s32 s6, s20  }
0x9e: {  	s9 =	simm.s32 $0x0;
	s21 =	sshll.u32 s7, $0x1;
	s7 =	sadd.s32 s22, s5  }
0x9f: {  	[timem:s9], [sflag:s23] =	dma.local [hbm:s7], s21  }
0xa0: {  	_ =	swait.ge [sflag:s23], s21  }
0xa1: {  	s6 =	ssub.s32 $0x0, s21;
	[sflag:s23] =	ssyncset.done $0x0  }
0xa2: {  	[sflag:s23] =	ssyncadd.s32 s6;
	_ =	sdelay $0x1  }
0xa3: {  	s24 =	simm.s32 $0x1B8B  }
0xa4: {  	_ =	swait.ge [sflag:s24], $0x1  }
0xa5: {  	[sflag:s24] =	ssyncset.done $0x0  }
0xa6: {  	s25 =	simm.s32 $0x1B8E;
	[sflag:s24] =	ssyncadd.s32 $0xFFFFFFFF  }
0xa7: {  	s26 =	simm.s32 $execute0_lowered;
	[smem:$0x3FD2] =	sst s25  }
0xa8: {  	s6 =	sshll.u32 s26, $0x1;
	_ =	strace $0x80000046;
	[dreg:$0x1] =	wrdreg $0xFFFFFFFF  }
0xa9: {  	s28 =	simm.s32 $_size_execute0_lowered;
	s5 =	sadd.s32 s5, s6;
	[dreg:$0x0] =	wrdreg $0x0  }
0xaa: {  	s6 =	sshll.u32 s28, $0x1;
	[dreg:$0x2] =	wrdreg s5  }
0xab: {  	[dreg:$0x3] =	wrdreg s6  }
0xac: {  	[dreg:$0x4] =	wrdreg $0xC0  }
0xad: {  	_ =	task [dreg:s9], $0x5FFFF  }
0xae: {  	[dreg:$0x1] =	wrdreg $0xFFFFFFFF  }
0xaf: {  	[dreg:$0x0] =	wrdreg $0x60  }
0xb0: {  	[dreg:$0x2] =	wrdreg s2  }
0xb1: {  	[dreg:$0x3] =	wrdreg s19  }
0xb2: {  	[dreg:$0x4] =	wrdreg s4  }
0xb3: {  	[dreg:$0x5] =	wrdreg $0x9  }
0xb4: {  	_ =	task.clear_ibuf [dreg:s9], $0x6FFFF;
	_ =	strace $0x90000046  }
0xb5: {  	s29 =	simm.s32 $0x9;
	_ =	strace $0x80000051  }
0xb6: {  	_ =	swait.ge [sflag:s29], $0x1  }
0xb7: {  	[sflag:s29] =	ssyncadd.s32 $0xFFFFFFFF  }
0xb8: {  	_ =	strace $0x90000051  }
0xb9: {  	_ =	sfence  }
0xba: {  	s30 =	sld [smem:$0x0];
	_ =	sdelay $0x2  }
0xbb: {  	s31 =	sshll.u32 s1, $0xD;
	s1 =	sshrl.u32 s1, $0x2  }
0xbc: {  	s3 =	sand.u32 $0x4000, s31;
	s1 =	sadd.s32 s1, s30  }
0xbd: {  	s0 =	sor.u32 s3, s0;
	s1 =	sshll.u32 s1, $0x11  }
0xbe: {  	s0 =	sor.u32 s1, s0  }
0xbf: {  	s0 =	sadd.s32 $0x8F2B, s0  }
0xc0: {  	[sflag:s0] =	ssyncadd.remote.s32 $0x1  }
0xc1: {  	_ =	sfence.sel $0xFFFF  }
0xc2: {  	[dreg:$0x0] =	wrdreg $0xFFFFFFFF;
	(pc) =	sbr.abs _section_cstart, $3  }
0xc3: {  	[dreg:$0x1] =	wrdreg $0xFFFFFFFF  }
0xc4: {  	_ =	task.clear_ibuf [dreg:s9], $0x2FFFF;
	_ =	strace $0x9FFFFFFF  }
0xc5: {  	(tm) =	ssettm $0x7FFFFFFF  }
tec
execute0_lowered:
.L_overlay_start_1:
0x0: {  	(tag) =	ssettag $0x1  }
0x1: {  	s1 =	rddreg [dreg:$0x0]  }
0x2: {  	s2 =	rddreg [dreg:$0x1]  }
0x3: {  	s3 =	rddreg [dreg:$0x2]  }
0x4: {  	s4 =	srdreg.scid;
	s5 =	simm.s32 $0x0;
	s0 =	stileid.u32  }
0x5: {  	v0 =	vlaneseq.u32;
	s10 =	simm.s32 $0x400;
	s11 =	simm.s32 $0x200000;
	s12 =	simm.s32 $0x6000  }
0x6: {  	s13 =	simm.s32 $0x6;
	s14 =	simm.s32 $0x0;
	s6 =	sand.u32 $0x1, s4;
	v1 =	vmul.u32 $0x80, v0  }
0x7: {  	[smem:$0x7FF] =	sst s5;
	v3 =	vor.u32 $0x10, v0;
	v5 =	vor.u32 $0x20, v0;
	v7 =	vor.u32 $0x30, v0;
	s7 =	ssub.s32 $0x2, s6;
	s6 =	sshll.u32 s6, $0x4  }
0x8: {  	v9 =	vor.u32 $0x40, v0;
	v11 =	vor.u32 $0x50, v0;
	v12 =	vor.u32 $0x60, v0;
	_ =	strace $0x80000047;
	s8 =	sshrl.u32 s7, $0x1;
	s6 =	sor.u32 s0, s6  }
0x9: {  	v13 =	vor.u32 $0x70, v0;
	v2 =	vor.u32 $0x800, v1;
	v4 =	vor.u32 $0x1000, v1;
	s9 =	ssub.s32 s7, s8;
	s31 =	sshll.u32 s6, $0xD;
	s6 =	sshll.u32 s6, $0x6  }
0xa: {  	v6 =	vor.u32 $0x1800, v1;
	v8 =	vor.u32 $0x2000, v1;
	v10 =	vor.u32 $0x2800, v1;
	s7 =	sadd.s32 s1, s31;
	s8 =	sadd.s32 s2, s31;
	s9 =	smax.u32 s9, $0x1  }
.LBB2_1:
0xb: {  	_ =	strace $0x80000048  }
0xc: {  	s23 =	simm.s32 $0x0;
	s15 =	simm.s32 $0x0;
	s16 =	simm.s32 $0x0  }
0xd: {  	[tilespmem:s5], [sflag:$0x1] =	stream.strided.gather [hbm4b:s7+s10], $0x3000, s11, s10, $0x200038;
	[tilespmem:$0x14000] =	vst v63  }
0xe: {  	s17 =	simm.s32 $0x0;
	s18 =	simm.s32 $0x1;
	s19 =	simm.s32 $0x0  }
0xf: {  	[tilespmem:s12], [sflag:$0x3] =	stream.strided.gather [hbm4b:s8+s10], $0x3000, s11, s10, $0x200038;
	[tilespmem:$0x14000] =	vst v63  }
0x10: {  	s20 =	simm.s32 $0x1;
	s21 =	simm.s32 $0x0;
	_ =	strace $0x90000048  }
.LBB2_2:
0x11: {  	s22 =	sadd.s32 $0x1, s23  }
0x12: {  	p0 =	seq.s32 s22, $0x40  }
0x13: {  	s22 =	simm.s32 @p0 $0x0;
	p0 =	seq.s32 s21, $0x3F  }
0x14: {  	p1 =	seq.s32 @!p0 s23, s22  }
0x15: {  	p2 =	por p1, p0  }
0x16: {  	s24 =	sand.u32 @!p2 $0x1, s20;
	s25 =	sadd.s32 @!p2 s6, s22  }
0x17: {  	_ =	strace @!p2 $0x80000049;
	s26 =	smul.u32 @!p2 $0xC000, s24;
	s25 =	sshll.u32 @!p2 s25, $0x7  }
0x18: {  	s29 =	simm.s32 @!p2 $0x400;
	s30 =	simm.s32 @!p2 $0x200000;
	s25 =	sand.u32 @!p2 $0x1FFFFF80, s25  }
0x19: {  	s24 =	sadd.s32 @!p2 $0x1, s24;
	s26 =	sshrl.u32 @!p2 s26, $0x2;
	s28 =	sadd.s32 @!p2 s1, s25  }
0x1a: {  	[tilespmem:s26], [sflag:s24] =	stream.strided.gather @!p2 [hbm4b:s28+s29], $0x3000, s30, s29, $0x200038;
	[tilespmem:$0x14000] =	vst v63  }
0x1b: {  	s24 =	sand.u32 @!p2 $0x1, s18  }
0x1c: {  	s26 =	smul.u32 @!p2 $0xC000, s24;
	_ =	sdelay $0x1  }
0x1d: {  	s25 =	sadd.s32 @!p2 s2, s25;
	_ =	strace @!p2 $0x90000049;
	s26 =	sshrl.u32 @!p2 s26, $0x2  }
0x1e: {  	s24 =	sadd.s32 @!p2 $0x3, s24;
	_ =	strace @!p2 $0x8000004A;
	s26 =	sadd.s32 @!p2 $0x6000, s26  }
0x1f: {  	[tilespmem:s26], [sflag:s24] =	stream.strided.gather @!p2 [hbm4b:s25+s29], $0x3000, s30, s29, $0x200038;
	[tilespmem:$0x14000] =	vst v63  }
0x20: {  	s24 =	sand.u32 $0x1, s19;
	_ =	strace @!p2 $0x9000004A  }
0x21: {  	s0 =	sadd.s32 $0x1, s24;
	_ =	strace $0x8000004B  }
0x22: {  	_ =	swait.ge [sflag:s0], $0x3000  }
0x23: {  	s4 =	simm.s32 $0x0;
	[sflag:s0] =	ssyncset.done $0x0  }
0x24: {  	v14 =	vadd.s32 s4, v0;
	[sflag:s0] =	ssyncadd.s32 $0xFFFFD000  }
0x25: {  	v14 =	vand.u32 $0xF, v14;
	s29 =	sand.u32 $0x1, s17;
	s26 =	sand.u32 $0x70, s4;
	_ =	strace $0x9000004B  }
0x26: {  	v16 =	vor.u32 s26, v14;
	s0 =	sadd.s32 $0x3, s29;
	_ =	strace $0x8000004C  }
0x27: {  	v14 =	vor.u32 v1, v16;
	_ =	swait.ge [sflag:s0], $0x3000  }
0x28: {  	[sflag:s0] =	ssyncset.done $0x0  }
0x29: {  	[sflag:s0] =	ssyncadd.s32 $0xFFFFD000  }
0x2a: {  	s28 =	simm.s32 $0x3000;
	p3 =	seq.s32 s24, $0x1;
	_ =	strace $0x9000004C  }
0x2b: {  	s28 =	simm.s32 @!p3 $0x0;
	v28 =	vshll.u32 v16, $0x7;
	_ =	strace $0x8000004D  }
0x2c: {  	v17 =	vor.u32 v0, v28;
	v15 =	vld.idx.msk [tilespmem:v14+s28+$0x0], $0xffff  }
0x2d: {  	v18 =	vor.u32 v2, v16  }
0x2e: {  	s4 =	simm.s32 $0x1;
	s24 =	sand.u32 $0x1, s16  }
0x2f: {  	v19 =	vadd.s32 s4, v0;
	s30 =	sshll.u32 s24, $0xE  }
0x30: {  	v19 =	vand.u32 $0xF, v19;
	s25 =	sadd.s32 $0xC000, s30  }
0x31: {  	v22 =	vor.u32 s26, v19;
	[tilespmem:v17+s25+$0x0] =	vst.idx.msk $0xffff, v15  }
0x32: {  	v19 =	vor.u32 v3, v28;
	v15 =	vor.u32 v1, v22;
	v17 =	vld.idx.msk [tilespmem:v18+s28+$0x0], $0xffff  }
0x33: {  	v20 =	vor.u32 v4, v16;
	_ =	sdelay $0x2  }
0x34: {  	v31 =	vshll.u32 v22, $0x7  }
0x35: {  	p3 =	seq.s32 s29, $0x1;
	s26 =	simm.s32 $0x9000;
	s29 =	simm.s32 $0x2;
	v24 =	vor.u32 v0, v31;
	v23 =	vld.idx.msk [tilespmem:v15+s28+$0x0], $0xffff;
	[tilespmem:v19+s25+$0x0] =	vst.idx.msk $0xffff, v17  }
0x36: {  	s26 =	simm.s32 @!p3 $0x6000;
	v25 =	vor.u32 v2, v22;
	v17 =	vadd.s32 s29, v0;
	v19 =	vld.idx.msk [tilespmem:v20+s28+$0x0], $0xffff  }
0x37: {  	s29 =	sand.u32 $0x70, s29;
	v17 =	vand.u32 $0xF, v17;
	v14 =	vld.idx.msk [tilespmem:v14+s26+$0x0], $0xffff  }
0x38: {  	v21 =	vor.u32 s29, v17  }
0x39: {  	v26 =	vor.u32 v5, v28;
	v17 =	vor.u32 v1, v21  }
0x3a: {  	v27 =	vor.u32 v6, v16;
	[tilespmem:v24+s25+$0x0] =	vst.idx.msk $0xffff, v23  }
0x3b: {  	v30 =	vor.u32 v3, v31;
	v23 =	vld.idx.msk [tilespmem:v25+s28+$0x0], $0xffff  }
0x3c: {  	v19 =	vadd.f32 v14, v19  }
0x3d: {  	v33 =	vor.u32 v4, v22  }
0x3e: {  	s30 =	simm.s32 $0x3;
	v14 =	vshll.u32 v21, $0x7;
	v24 =	vld.idx.msk [tilespmem:v17+s28+$0x0], $0xffff;
	[tilespmem:v26+s25+$0x0] =	vst.idx.msk $0xffff, v19  }
0x3f: {  	v29 =	vor.u32 v0, v14;
	v19 =	vadd.s32 s30, v0;
	v32 =	vld.idx.msk [tilespmem:v27+s28+$0x0], $0xffff  }
0x40: {  	v26 =	vor.u32 v2, v21;
	v19 =	vand.u32 $0xF, v19;
	v18 =	vld.idx.msk [tilespmem:v18+s26+$0x0], $0xffff;
	[tilespmem:v30+s25+$0x0] =	vst.idx.msk $0xffff, v23  }
0x41: {  	v37 =	vor.u32 s29, v19;
	v30 =	vld.idx.msk [tilespmem:v15+s26+$0x0], $0xffff  }
0x42: {  	v19 =	vor.u32 v7, v28;
	v34 =	vor.u32 v1, v37;
	v35 =	vld.idx.msk [tilespmem:v33+s28+$0x0], $0xffff;
	_ =	sdelay $0x1  }
0x43: {  	v42 =	vor.u32 v5, v31;
	[tilespmem:v29+s25+$0x0] =	vst.idx.msk $0xffff, v24;
	v24 =	vor.u32 v8, v16  }
0x44: {  	v43 =	vor.u32 v6, v22;
	v29 =	vor.u32 v3, v14;
	v23 =	vld.idx.msk [tilespmem:v26+s28+$0x0], $0xffff;
	v18 =	vadd.f32 v18, v32  }
0x45: {  	v53 =	vor.u32 v4, v21  }
0x46: {  	s30 =	simm.s32 $0x5;
	s29 =	simm.s32 $0x4;
	v36 =	vld.idx.msk [tilespmem:v34+s28+$0x0], $0xffff;
	[tilespmem:v19+s25+$0x0] =	vst.idx.msk $0xffff, v18;
	v30 =	vadd.f32 v30, v35  }
0x47: {  	v15 =	vshll.u32 v37, $0x7;
	v18 =	vadd.s32 s29, v0;
	v19 =	vadd.s32 s30, v0;
	v20 =	vld.idx.msk [tilespmem:v20+s26+$0x0], $0xffff  }
0x48: {  	v39 =	vor.u32 v0, v15;
	s29 =	sand.u32 $0x70, s29;
	v18 =	vand.u32 $0xF, v18;
	v38 =	vand.u32 $0xF, v19;
	v41 =	vld.idx.msk [tilespmem:v24+s28+$0x0], $0xffff;
	[tilespmem:v42+s25+$0x0] =	vst.idx.msk $0xffff, v30  }
0x49: {  	v40 =	vor.u32 v2, v37;
	v19 =	vor.u32 s29, v18;
	v18 =	vor.u32 s29, v38;
	[tilespmem:v29+s25+$0x0] =	vst.idx.msk $0xffff, v23;
	v30 =	vld.idx.msk [tilespmem:v43+s28+$0x0], $0xffff  }
0x4a: {  	v38 =	vor.u32 v1, v18;
	v23 =	vld.idx.msk [tilespmem:v53+s28+$0x0], $0xffff  }
0x4b: {  	v29 =	vor.u32 v9, v28;
	v54 =	vor.u32 v1, v19;
	v17 =	vld.idx.msk [tilespmem:v17+s26+$0x0], $0xffff  }
0x4c: {  	v55 =	vor.u32 v10, v16;
	v25 =	vld.idx.msk [tilespmem:v25+s26+$0x0], $0xffff  }
0x4d: {  	v56 =	vor.u32 v5, v14;
	[tilespmem:v39+s25+$0x0] =	vst.idx.msk $0xffff, v36  }
0x4e: {  	v42 =	vor.u32 v6, v21;
	v36 =	vld.idx.msk [tilespmem:v40+s28+$0x0], $0xffff;
	v20 =	vadd.f32 v20, v41  }
0x4f: {  	v48 =	vor.u32 v8, v22;
	v46 =	vor.u32 v7, v31;
	v44 =	vld.idx.msk [tilespmem:v38+s28+$0x0], $0xffff  }
0x50: {  	v16 =	vshll.u32 v18, $0x7;
	[tilespmem:v29+s25+$0x0] =	vst.idx.msk $0xffff, v20;
	v20 =	vld.idx.msk [tilespmem:v54+s28+$0x0], $0xffff;
	v23 =	vadd.f32 v17, v23  }
0x51: {  	v45 =	vor.u32 v0, v16;
	v25 =	vadd.f32 v25, v30;
	v17 =	vshll.u32 v19, $0x7;
	v47 =	vld.idx.msk [tilespmem:v55+s28+$0x0], $0xffff  }
0x52: {  	v29 =	vor.u32 v2, v18;
	v27 =	vld.idx.msk [tilespmem:v27+s26+$0x0], $0xffff;
	v49 =	vor.u32 v0, v17;
	[tilespmem:v56+s25+$0x0] =	vst.idx.msk $0xffff, v23  }
0x53: {  	v41 =	vor.u32 v2, v19;
	v23 =	vor.u32 v3, v15;
	v50 =	vld.idx.msk [tilespmem:v42+s28+$0x0], $0xffff  }
0x54: {  	[tilespmem:v46+s25+$0x0] =	vst.idx.msk $0xffff, v25;
	v26 =	vld.idx.msk [tilespmem:v26+s26+$0x0], $0xffff  }
0x55: {  	v30 =	vor.u32 v11, v28;
	v46 =	vor.u32 v4, v37;
	v25 =	vld.idx.msk [tilespmem:v48+s28+$0x0], $0xffff  }
0x56: {  	v57 =	vor.u32 v7, v14;
	v33 =	vld.idx.msk [tilespmem:v33+s26+$0x0], $0xffff;
	[tilespmem:v45+s25+$0x0] =	vst.idx.msk $0xffff, v44  }
0x57: {  	v44 =	vld.idx.msk [tilespmem:v29+s28+$0x0], $0xffff;
	[tilespmem:v49+s25+$0x0] =	vst.idx.msk $0xffff, v20;
	v20 =	vor.u32 v8, v21  }
0x58: {  	v59 =	vor.u32 v3, v17;
	[tilespmem:v23+s25+$0x0] =	vst.idx.msk $0xffff, v36;
	v23 =	vadd.f32 v27, v47;
	v58 =	vld.idx.msk [tilespmem:v41+s28+$0x0], $0xffff  }
0x59: {  	v60 =	vor.u32 v9, v31;
	v27 =	vor.u32 v4, v19;
	v26 =	vadd.f32 v26, v50;
	v34 =	vld.idx.msk [tilespmem:v34+s26+$0x0], $0xffff  }
0x5a: {  	v50 =	vor.u32 v10, v22;
	[tilespmem:v30+s25+$0x0] =	vst.idx.msk $0xffff, v23;
	v23 =	vld.idx.msk [tilespmem:v46+s28+$0x0], $0xffff  }
0x5b: {  	[tilespmem:v57+s25+$0x0] =	vst.idx.msk $0xffff, v26;
	v22 =	vld.idx.msk [tilespmem:v24+s26+$0x0], $0xffff  }
0x5c: {  	s29 =	simm.s32 $0x7;
	v30 =	vor.u32 v12, v28;
	v24 =	vadd.f32 v33, v25;
	v45 =	vld.idx.msk [tilespmem:v20+s28+$0x0], $0xffff  }
0x5d: {  	v61 =	vor.u32 v5, v15;
	s30 =	simm.s32 $0x6;
	v26 =	vadd.s32 s29, v0;
	v32 =	vld.idx.msk [tilespmem:v53+s26+$0x0], $0xffff;
	[tilespmem:v59+s25+$0x0] =	vst.idx.msk $0xffff, v58  }
0x5e: {  	v62 =	vadd.s32 s30, v0;
	v25 =	vor.u32 v6, v37;
	s29 =	sand.u32 $0x70, s30;
	v26 =	vand.u32 $0xF, v26;
	[tilespmem:v60+s25+$0x0] =	vst.idx.msk $0xffff, v24;
	v51 =	vld.idx.msk [tilespmem:v27+s28+$0x0], $0xffff  }
0x5f: {  	v33 =	vand.u32 $0xF, v62;
	v24 =	vor.u32 s29, v26;
	v49 =	vld.idx.msk [tilespmem:v50+s28+$0x0], $0xffff  }
0x60: {  	v26 =	vor.u32 s29, v33;
	v36 =	vor.u32 v1, v24;
	v63 =	vld.idx.msk [tilespmem:v43+s26+$0x0], $0xffff;
	v23 =	vadd.f32 v34, v23  }
0x61: {  	v59 =	vor.u32 v9, v14;
	v33 =	vor.u32 v1, v26;
	v35 =	vld.idx.msk [tilespmem:v54+s26+$0x0], $0xffff;
	[tilespmem:v30+s25+$0x0] =	vst.idx.msk $0xffff, v22  }
0x62: {  	v21 =	vor.u32 v10, v21;
	[tilespmem:v61+s25+$0x0] =	vst.idx.msk $0xffff, v23;
	v39 =	vld.idx.msk [tilespmem:v55+s26+$0x0], $0xffff  }
0x63: {  	v60 =	vor.u32 v11, v31;
	v52 =	vld.idx.msk [tilespmem:v25+s28+$0x0], $0xffff  }
0x64: {  	v32 =	vadd.f32 v32, v45;
	v61 =	vor.u32 v5, v17;
	v40 =	vld.idx.msk [tilespmem:v40+s26+$0x0], $0xffff  }
0x65: {  	v22 =	vshll.u32 v26, $0x7;
	v30 =	vor.u32 v6, v19;
	v23 =	vshll.u32 v24, $0x7;
	v54 =	vld.idx.msk [tilespmem:v36+s28+$0x0], $0xffff  }
0x66: {  	v55 =	vor.u32 v0, v23;
	[tilespmem:v59+s25+$0x0] =	vst.idx.msk $0xffff, v32;
	v56 =	vld.idx.msk [tilespmem:v33+s28+$0x0], $0xffff;
	v34 =	vadd.f32 v63, v49  }
0x67: {  	v32 =	vor.u32 v2, v24;
	v62 =	vadd.f32 v35, v51;
	v63 =	vor.u32 v0, v22;
	v51 =	vld.idx.msk [tilespmem:v21+s28+$0x0], $0xffff  }
0x68: {  	v43 =	vor.u32 v7, v15;
	v35 =	vor.u32 v2, v26;
	v42 =	vld.idx.msk [tilespmem:v42+s26+$0x0], $0xffff;
	[tilespmem:v60+s25+$0x0] =	vst.idx.msk $0xffff, v34  }
0x69: {  	v57 =	vor.u32 v3, v16;
	[tilespmem:v61+s25+$0x0] =	vst.idx.msk $0xffff, v62;
	v49 =	vld.idx.msk [tilespmem:v48+s26+$0x0], $0xffff  }
0x6a: {  	v53 =	vor.u32 v13, v28;
	v28 =	vor.u32 v8, v37;
	v59 =	vld.idx.msk [tilespmem:v30+s28+$0x0], $0xffff  }
0x6b: {  	v58 =	vor.u32 v12, v31;
	v60 =	vadd.f32 v40, v52;
	v61 =	vld.idx.msk [tilespmem:v41+s26+$0x0], $0xffff;
	[tilespmem:v55+s25+$0x0] =	vst.idx.msk $0xffff, v54  }
0x6c: {  	[tilespmem:v63+s25+$0x0] =	vst.idx.msk $0xffff, v56;
	v45 =	vld.idx.msk [tilespmem:v32+s28+$0x0], $0xffff  }
0x6d: {  	v34 =	vor.u32 v4, v18;
	v62 =	vor.u32 v11, v14;
	[tilespmem:v43+s25+$0x0] =	vst.idx.msk $0xffff, v60;
	v48 =	vld.idx.msk [tilespmem:v35+s28+$0x0], $0xffff  }
0x6e: {  	[tilespmem:v57+s25+$0x0] =	vst.idx.msk $0xffff, v44;
	v44 =	vld.idx.msk [tilespmem:v46+s26+$0x0], $0xffff;
	v46 =	vor.u32 v7, v17  }
0x6f: {  	p1 =	por !p1, p0;
	s0 =	sadd.s32 @!p2 $0x1, s20;
	v47 =	vor.u32 v9, v15;
	[tilespmem:v53+s25+$0x0] =	vst.idx.msk $0xffff, v39;
	v39 =	vor.u32 v8, v19;
	v43 =	vld.idx.msk [tilespmem:v28+s28+$0x0], $0xffff  }
0x70: {  	s31 =	smov.u32 s20;
	s20 =	smov.u32 @p1 s0;
	s29 =	simm.s32 $0x0;
	v41 =	vor.u32 v13, v31;
	v63 =	vadd.f32 v42, v51;
	[tilespmem:v58+s25+$0x0] =	vst.idx.msk $0xffff, v49;
	v49 =	vld.idx.msk [tilespmem:v38+s26+$0x0], $0xffff  }
0x71: {  	s20 =	smov.u32 @p0 s31;
	s29 =	simm.s32 @p1 $0x1;
	v31 =	vor.u32 v10, v37;
	v51 =	vor.u32 v3, v22;
	v40 =	vld.idx.msk [tilespmem:v50+s26+$0x0], $0xffff;
	v52 =	vadd.f32 v61, v59  }
0x72: {  	s31 =	simm.s32 $0x8;
	s30 =	sadd.s32 s6, s23;
	s29 =	simm.s32 @p0 $0x0;
	v42 =	vor.u32 v4, v26;
	[tilespmem:v62+s25+$0x0] =	vst.idx.msk $0xffff, v63;
	v38 =	vor.u32 v12, v14;
	v50 =	vld.idx.msk [tilespmem:v34+s28+$0x0], $0xffff  }
.LBB2_3:
0x73: {  	v37 =	vadd.s32 s31, v0;
	s0 =	sadd.s32 $0x1, s31;
	[tilespmem:v46+s25+$0x0] =	vst.idx.msk $0xffff, v52;
	v46 =	vor.u32 v6, v18;
	v53 =	vmov v36  }
0x74: {  	p1 =	slt.u32 s31, $0x7E;
	v52 =	vld.idx.msk [tilespmem:v20+s26+$0x0], $0xffff;
	v54 =	vmovc v15;
	v15 =	vmovc v16;
	v16 =	vmov v23;
	v55 =	vmov v45;
	v20 =	vmov v39;
	s4 =	smov.u32 s31;
	s31 =	sadd.s32 $0x2, s31  }
0x75: {  	s4 =	sand.u32 $0x70, s4;
	v23 =	vand.u32 $0xF, v37;
	v36 =	vadd.s32 s0, v0;
	v37 =	vld.idx.msk [tilespmem:v39+s28+$0x0], $0xffff;
	v39 =	vadd.f32 v44, v43  }
0x76: {  	v45 =	vor.u32 v5, v15;
	v43 =	vor.u32 s4, v23;
	v23 =	vand.u32 $0xF, v36;
	[tilespmem:v51+s25+$0x0] =	vst.idx.msk $0xffff, v48;
	v44 =	vld.idx.msk [tilespmem:v27+s26+$0x0], $0xffff  }
0x77: {  	v48 =	vor.u32 v1, v43;
	v51 =	vshll.u32 v43, $0x7;
	v56 =	vor.u32 s4, v23;
	v57 =	vld.idx.msk [tilespmem:v42+s28+$0x0], $0xffff;
	[tilespmem:v47+s25+$0x0] =	vst.idx.msk $0xffff, v39  }
0x78: {  	v27 =	vmov v42;
	v36 =	vor.u32 v1, v56;
	v23 =	vshll.u32 v56, $0x7;
	v39 =	vld.idx.msk [tilespmem:v31+s28+$0x0], $0xffff;
	[tilespmem:v41+s25+$0x0] =	vst.idx.msk $0xffff, v40  }
0x79: {  	v47 =	vor.u32 v11, v54;
	v40 =	vor.u32 v9, v17;
	v41 =	vadd.f32 v49, v50;
	v42 =	vld.idx.msk [tilespmem:v25+s26+$0x0], $0xffff  }
0x7a: {  	v25 =	vmov v46;
	v49 =	vld.idx.msk [tilespmem:v33+s26+$0x0], $0xffff;
	[tilespmem:v38+s25+$0x0] =	vst.idx.msk $0xffff, v52;
	v33 =	vmov v48  }
0x7b: {  	[tilespmem:v45+s25+$0x0] =	vst.idx.msk $0xffff, v41;
	v38 =	vld.idx.msk [tilespmem:v21+s26+$0x0], $0xffff;
	v21 =	vor.u32 v10, v19;
	v19 =	vmov v26;
	v26 =	vmov v43  }
0x7c: {  	v37 =	vadd.f32 v44, v37;
	v41 =	vld.idx.msk [tilespmem:v46+s28+$0x0], $0xffff  }
0x7d: {  	v43 =	vor.u32 v5, v22;
	v45 =	vor.u32 v13, v14;
	v44 =	vor.u32 v6, v19;
	v29 =	vld.idx.msk [tilespmem:v29+s26+$0x0], $0xffff  }
0x7e: {  	v50 =	vor.u32 v0, v23;
	v48 =	vor.u32 v2, v26;
	v46 =	vld.idx.msk [tilespmem:v36+s28+$0x0], $0xffff;
	[tilespmem:v40+s25+$0x0] =	vst.idx.msk $0xffff, v37  }
0x7f: {  	v14 =	vmovc v17;
	v17 =	vmov v22;
	v40 =	vor.u32 v7, v15;
	v39 =	vadd.f32 v42, v39;
	v37 =	vld.idx.msk [tilespmem:v33+s28+$0x0], $0xffff  }
0x80: {  	v52 =	vor.u32 v12, v54;
	v42 =	vor.u32 v2, v56;
	v60 =	vadd.f32 v49, v57;
	v49 =	vld.idx.msk [tilespmem:v21+s28+$0x0], $0xffff  }
0x81: {  	v59 =	vor.u32 v8, v18;
	v57 =	vor.u32 v3, v16;
	v58 =	vld.idx.msk [tilespmem:v30+s26+$0x0], $0xffff;
	[tilespmem:v47+s25+$0x0] =	vst.idx.msk $0xffff, v39  }
0x82: {  	v22 =	vmov v51;
	v39 =	vor.u32 v0, v51;
	v30 =	vmov v44;
	[tilespmem:v43+s25+$0x0] =	vst.idx.msk $0xffff, v60;
	v47 =	vld.idx.msk [tilespmem:v28+s26+$0x0], $0xffff  }
0x83: {  	v41 =	vadd.f32 v29, v41;
	v29 =	vmov v32;
	v32 =	vmov v42;
	v60 =	vld.idx.msk [tilespmem:v44+s28+$0x0], $0xffff;
	[tilespmem:v45+s25+$0x0] =	vst.idx.msk $0xffff, v38  }
0x84: {  	v28 =	vmov v59;
	[tilespmem:v50+s25+$0x0] =	vst.idx.msk $0xffff, v46;
	v38 =	vld.idx.msk [tilespmem:v35+s26+$0x0], $0xffff;
	v50 =	vor.u32 v11, v14;
	v35 =	vmov v48  }
0x85: {  	v45 =	vld.idx.msk [tilespmem:v42+s28+$0x0], $0xffff;
	[tilespmem:v40+s25+$0x0] =	vst.idx.msk $0xffff, v41  }
0x86: {  	[tilespmem:v57+s25+$0x0] =	vst.idx.msk $0xffff, v55;
	v55 =	vor.u32 v4, v24;
	v43 =	vld.idx.msk [tilespmem:v59+s28+$0x0], $0xffff  }
.Ltmp0:
0x87: {  	v46 =	vor.u32 v7, v17;
	[tilespmem:v39+s25+$0x0] =	vst.idx.msk $0xffff, v37;
	v37 =	vadd.f32 v58, v49;
	v44 =	vld.idx.msk [tilespmem:v34+s26+$0x0], $0xffff;
	(pc) =	sbr.rel @p1 .LBB2_3-.Ltmp0, $4  }
0x88: {  	v39 =	vor.u32 v8, v19;
	v34 =	vmov v55;
	v48 =	vld.idx.msk [tilespmem:v48+s28+$0x0], $0xffff;
	[tilespmem:v52+s25+$0x0] =	vst.idx.msk $0xffff, v47  }
0x89: {  	v51 =	vor.u32 v3, v22;
	v41 =	vor.u32 v13, v54;
	[tilespmem:v50+s25+$0x0] =	vst.idx.msk $0xffff, v37;
	v40 =	vld.idx.msk [tilespmem:v31+s26+$0x0], $0xffff  }
0x8a: {  	v42 =	vor.u32 v4, v26;
	v47 =	vor.u32 v9, v15;
	v52 =	vadd.f32 v38, v60;
	v49 =	vld.idx.msk [tilespmem:v53+s26+$0x0], $0xffff  }
0x8b: {  	v38 =	vor.u32 v12, v14;
	v31 =	vor.u32 v10, v18;
	v18 =	vmovc v24;
	v24 =	vmov v56;
	v50 =	vld.idx.msk [tilespmem:v55+s28+$0x0], $0xffff  }
0x8c: {  	_ = 	snop  }
0x8d: {  	v37 =	vor.u32 v3, v23;
	_ =	sdelay $0x1  }
0x8e: {  	v53 =	vor.u32 v4, v24  }
0x8f: {  	[tilespmem:v51+s25+$0x0] =	vst.idx.msk $0xffff, v48  }
0x90: {  	v48 =	vld.idx.msk [tilespmem:v42+s28+$0x0], $0xffff  }
0x91: {  	v62 =	vor.u32 v5, v16;
	v33 =	vld.idx.msk [tilespmem:v33+s26+$0x0], $0xffff;
	[tilespmem:v37+s25+$0x0] =	vst.idx.msk $0xffff, v45  }
0x92: {  	v36 =	vld.idx.msk [tilespmem:v36+s26+$0x0], $0xffff  }
0x93: {  	v63 =	vor.u32 v5, v22;
	v37 =	vor.u32 v6, v18;
	v54 =	vld.idx.msk [tilespmem:v53+s28+$0x0], $0xffff  }
0x94: {  	v49 =	vadd.f32 v49, v50  }
0x95: {  	v55 =	vor.u32 v5, v23;
	v50 =	vor.u32 v6, v26  }
0x96: {  	[tilespmem:v62+s25+$0x0] =	vst.idx.msk $0xffff, v49;
	v33 =	vadd.f32 v33, v48;
	v48 =	vor.u32 v6, v24  }
0x97: {  	v29 =	vld.idx.msk [tilespmem:v29+s26+$0x0], $0xffff  }
0x98: {  	[tilespmem:v63+s25+$0x0] =	vst.idx.msk $0xffff, v33;
	v49 =	vld.idx.msk [tilespmem:v37+s28+$0x0], $0xffff;
	v51 =	vadd.f32 v36, v54  }
0x99: {  	v35 =	vld.idx.msk [tilespmem:v35+s26+$0x0], $0xffff  }
0x9a: {  	v56 =	vor.u32 v7, v16;
	v54 =	vld.idx.msk [tilespmem:v50+s28+$0x0], $0xffff;
	[tilespmem:v55+s25+$0x0] =	vst.idx.msk $0xffff, v51  }
0x9b: {  	v33 =	vor.u32 v8, v18;
	v57 =	vld.idx.msk [tilespmem:v48+s28+$0x0], $0xffff  }
0x9c: {  	[tilespmem:v46+s25+$0x0] =	vst.idx.msk $0xffff, v52;
	v43 =	vadd.f32 v44, v43;
	v58 =	vor.u32 v7, v22;
	v32 =	vld.idx.msk [tilespmem:v32+s26+$0x0], $0xffff  }
0x9d: {  	v46 =	vld.idx.msk [tilespmem:v39+s28+$0x0], $0xffff;
	v29 =	vadd.f32 v29, v49  }
0x9e: {  	v59 =	vor.u32 v7, v23;
	v27 =	vld.idx.msk [tilespmem:v27+s26+$0x0], $0xffff;
	[tilespmem:v47+s25+$0x0] =	vst.idx.msk $0xffff, v43;
	v49 =	vor.u32 v8, v26  }
0x9f: {  	v25 =	vld.idx.msk [tilespmem:v25+s26+$0x0], $0xffff;
	v36 =	vor.u32 v8, v24;
	v35 =	vadd.f32 v35, v54;
	[tilespmem:v56+s25+$0x0] =	vst.idx.msk $0xffff, v29  }
0xa0: {  	v60 =	vor.u32 v9, v17;
	v45 =	vld.idx.msk [tilespmem:v33+s28+$0x0], $0xffff  }
0xa1: {  	[tilespmem:v58+s25+$0x0] =	vst.idx.msk $0xffff, v35;
	v34 =	vld.idx.msk [tilespmem:v34+s26+$0x0], $0xffff;
	v32 =	vadd.f32 v32, v57  }
0xa2: {  	v19 =	vor.u32 v10, v19;
	v62 =	vld.idx.msk [tilespmem:v42+s26+$0x0], $0xffff  }
0xa3: {  	v61 =	vor.u32 v9, v16;
	v27 =	vadd.f32 v27, v46;
	v44 =	vld.idx.msk [tilespmem:v49+s28+$0x0], $0xffff;
	[tilespmem:v59+s25+$0x0] =	vst.idx.msk $0xffff, v32  }
0xa4: {  	v18 =	vor.u32 v10, v18;
	v32 =	vld.idx.msk [tilespmem:v36+s28+$0x0], $0xffff  }
0xa5: {  	[tilespmem:v60+s25+$0x0] =	vst.idx.msk $0xffff, v27;
	v63 =	vor.u32 v9, v22;
	v51 =	vld.idx.msk [tilespmem:v53+s26+$0x0], $0xffff  }
0xa6: {  	v30 =	vld.idx.msk [tilespmem:v30+s26+$0x0], $0xffff;
	v26 =	vor.u32 v10, v26;
	v52 =	vadd.f32 v34, v45  }
0xa7: {  	v54 =	vor.u32 v9, v23;
	v29 =	vld.idx.msk [tilespmem:v31+s28+$0x0], $0xffff  }
0xa8: {  	v24 =	vor.u32 v10, v24;
	v53 =	vld.idx.msk [tilespmem:v19+s28+$0x0], $0xffff;
	[tilespmem:v61+s25+$0x0] =	vst.idx.msk $0xffff, v52;
	v55 =	vadd.f32 v62, v44  }
0xa9: {  	v56 =	vld.idx.msk [tilespmem:v18+s28+$0x0], $0xffff  }
0xaa: {  	v37 =	vld.idx.msk [tilespmem:v37+s26+$0x0], $0xffff;
	[tilespmem:v63+s25+$0x0] =	vst.idx.msk $0xffff, v55;
	v57 =	vadd.f32 v51, v32  }
0xab: {  	v58 =	vld.idx.msk [tilespmem:v26+s28+$0x0], $0xffff  }
0xac: {  	v59 =	vor.u32 v11, v15;
	v60 =	vld.idx.msk [tilespmem:v50+s26+$0x0], $0xffff;
	[tilespmem:v54+s25+$0x0] =	vst.idx.msk $0xffff, v57  }
0xad: {  	v61 =	vor.u32 v11, v17;
	v35 =	vld.idx.msk [tilespmem:v24+s28+$0x0], $0xffff  }
0xae: {  	v62 =	vor.u32 v11, v16;
	v63 =	vld.idx.msk [tilespmem:v48+s26+$0x0], $0xffff  }
0xaf: {  	v25 =	vadd.f32 v25, v29;
	v48 =	vor.u32 v11, v22  }
0xb0: {  	[tilespmem:v41+s25+$0x0] =	vst.idx.msk $0xffff, v40;
	v30 =	vadd.f32 v30, v53;
	v50 =	vor.u32 v11, v23  }
0xb1: {  	v20 =	vld.idx.msk [tilespmem:v20+s26+$0x0], $0xffff;
	[tilespmem:v59+s25+$0x0] =	vst.idx.msk $0xffff, v25;
	v51 =	vadd.f32 v37, v56  }
0xb2: {  	v52 =	vor.u32 v12, v15;
	v28 =	vld.idx.msk [tilespmem:v28+s26+$0x0], $0xffff;
	[tilespmem:v61+s25+$0x0] =	vst.idx.msk $0xffff, v30;
	v53 =	vadd.f32 v60, v58  }
0xb3: {  	v54 =	vor.u32 v12, v17;
	v55 =	vld.idx.msk [tilespmem:v39+s26+$0x0], $0xffff;
	[tilespmem:v62+s25+$0x0] =	vst.idx.msk $0xffff, v51;
	v56 =	vadd.f32 v63, v35  }
0xb4: {  	v57 =	vor.u32 v12, v16;
	v33 =	vld.idx.msk [tilespmem:v33+s26+$0x0], $0xffff;
	[tilespmem:v48+s25+$0x0] =	vst.idx.msk $0xffff, v53  }
0xb5: {  	v58 =	vor.u32 v12, v22;
	v29 =	vld.idx.msk [tilespmem:v49+s26+$0x0], $0xffff;
	[tilespmem:v50+s25+$0x0] =	vst.idx.msk $0xffff, v56  }
0xb6: {  	[tilespmem:v38+s25+$0x0] =	vst.idx.msk $0xffff, v20;
	v59 =	vor.u32 v12, v23;
	v25 =	vld.idx.msk [tilespmem:v36+s26+$0x0], $0xffff  }
0xb7: {  	v14 =	vor.u32 v13, v14;
	v21 =	vld.idx.msk [tilespmem:v21+s26+$0x0], $0xffff;
	[tilespmem:v52+s25+$0x0] =	vst.idx.msk $0xffff, v28  }
0xb8: {  	v15 =	vor.u32 v13, v15;
	v28 =	vld.idx.msk [tilespmem:v31+s26+$0x0], $0xffff;
	[tilespmem:v54+s25+$0x0] =	vst.idx.msk $0xffff, v55  }
0xb9: {  	v60 =	vor.u32 v13, v17;
	v19 =	vld.idx.msk [tilespmem:v19+s26+$0x0], $0xffff;
	[tilespmem:v57+s25+$0x0] =	vst.idx.msk $0xffff, v33  }
0xba: {  	v61 =	vor.u32 v13, v16;
	v18 =	vld.idx.msk [tilespmem:v18+s26+$0x0], $0xffff;
	[tilespmem:v58+s25+$0x0] =	vst.idx.msk $0xffff, v29  }
0xbb: {  	v62 =	vor.u32 v13, v22;
	v26 =	vld.idx.msk [tilespmem:v26+s26+$0x0], $0xffff;
	[tilespmem:v59+s25+$0x0] =	vst.idx.msk $0xffff, v25  }
0xbc: {  	[tilespmem:v14+s25+$0x0] =	vst.idx.msk $0xffff, v21;
	v63 =	vor.u32 v13, v23;
	v14 =	vld.idx.msk [tilespmem:v24+s26+$0x0], $0xffff  }
0xbd: {  	[tilespmem:v15+s25+$0x0] =	vst.idx.msk $0xffff, v28  }
0xbe: {  	[tilespmem:v60+s25+$0x0] =	vst.idx.msk $0xffff, v19  }
0xbf: {  	p1 =	sne.s32 s23, s22;
	[tilespmem:v61+s25+$0x0] =	vst.idx.msk $0xffff, v18  }
0xc0: {  	p0 =	por p0, p1;
	[tilespmem:v62+s25+$0x0] =	vst.idx.msk $0xffff, v26  }
0xc1: {  	p1 =	seq.s32 s21, $0x0;
	s0 =	sshll.u32 @p0 s30, $0xB;
	[tilespmem:v63+s25+$0x0] =	vst.idx.msk $0xffff, v14  }
0xc2: {  	s4 =	sadd.s32 @p0 $0x5, s24;
	s0 =	sand.u32 @p0 $0x1FFFF800, s0;
	_ =	strace $0x9000004D  }
0xc3: {  	s23 =	simm.s32 @p0 $0x0;
	s0 =	sadd.s32 @p0 s3, s0;
	_ =	strace @p0 $0x8000004E  }
0xc4: {  	[hbm4b:s0+s23] =	stream.linear.scatter @p0 [tilespmem:s25], [sflag:s4], $0x4000, $0x200038;
	[tilespmem:$0x14000] =	vst v63  }
0xc5: {  	s0 =	sand.u32 @!p1 $0x1, s15;
	_ =	strace @p0 $0x9000004E  }
0xc6: {  	s0 =	sadd.s32 @!p1 $0x5, s0;
	_ =	strace @!p1 $0x8000004F  }
0xc7: {  	s4 =	simm.s32 $0x1;
	_ =	swait.ge @!p1 [sflag:s0], $0x4000  }
0xc8: {  	s4 =	simm.s32 @!p0 $0x0;
	p0 =	sne.s32 s21, $0x0;
	[sflag:s0] =	ssyncset.done @!p1 $0x0  }
0xc9: {  	s21 =	sadd.s32 $0x1, s21;
	[sflag:s0] =	ssyncadd.s32 @!p1 $0xFFFFC000;
	s0 =	simm.s32 $0x1  }
0xca: {  	s0 =	simm.s32 @!p0 $0x0;
	p0 =	sne.s32 s21, $0x40  }
.Ltmp1:
0xcb: {  	_ = 	snop;
	(pc) =	sbr.rel @p0 .LBB2_2-.Ltmp1, $4  }
0xcc: {  	_ = 	snop  }
0xcd: {  	s18 =	sadd.s32 s18, s29  }
0xce: {  	s23 =	smov.u32 s22;
	s16 =	sadd.s32 s4, s16;
	s19 =	sadd.s32 s4, s19  }
0xcf: {  	s17 =	sadd.s32 s4, s17;
	_ =	strace @!p1 $0x9000004F;
	s15 =	sadd.s32 s0, s15  }
0xd0: {  	s14 =	sadd.s32 $0x1, s14  }
0xd1: {  	p0 =	sne.s32 s14, s9  }
.Ltmp2:
0xd2: {  	_ =	strace $0x80000050;
	(pc) =	sbr.rel @p0 .LBB2_1-.Ltmp2, $4  }
0xd3: {  	_ =	swait.ge [sflag:s13], $0x4000  }
0xd4: {  	[sflag:s13] =	ssyncset.done $0x0  }
0xd5: {  	[sflag:s13] =	ssyncadd.s32 $0xFFFFC000  }
0xd6: {  	_ =	strace $0x90000050  }
0xd7: {  	_ =	sfence.sel $0x180000  }
0xd8: {  	[bflag:$0x0] =	sbarrier.arrive $0xFFFF  }
0xd9: {  	_ =	strace $0x90000047  }
0xda: {  	s0 =	stileid.u32;
	[bflag:$0x2] =	sbarrier.arrive $0xFFFF  }
0xdb: {  	p0 =	sne.s32 s0, $0x0;
	s0 =	rddreg [dreg:$0x3]  }
0xdc: {  	s0 =	sadd.s32 @!p0 $0x100000, s0  }
0xdd: {  	[sflag:s0] =	ssyncadd.tile.s32 @!p0 $0x1;
	_ =	shalt  }
.Lfunc_end2:
_tile_overlayer_lowered:
.L_overlay_start_2:
0xde: {  	(tag) =	ssettag $0x2  }
0xdf: {  	s0 =	rddreg [dreg:$0x0];
	s2 =	stileid.u32  }
0xe0: {  	s1 =	rddreg [dreg:$0x1];
	p0 =	sne.s32 s2, $0x0  }
0xe1: {  	s3 =	rddreg [dreg:$0x2];
	[bflag:$0x3] =	sbarrier.arrive $0xFFFF;
	s2 =	simm.s32 @!p0 $0x1C01  }
0xe2: {  	[timem:s3], [sflag:s2] =	dma.local @!p0 [hbm:s0], s1  }
0xe3: {  	s0 =	simm.s32 @!p0 $0x1  }
0xe4: {  	_ =	swait.ge @!p0 [sflag:s0], s1  }
0xe5: {  	s1 =	ssub.s32 @!p0 $0x0, s1;
	[sflag:s0] =	ssyncset.done @!p0 $0x0  }
0xe6: {  	[sflag:s0] =	ssyncadd.s32 @!p0 s1  }
0xe7: {  	[bflag:$0x3] =	sbarrier.arrive $0xFFFF  }
0xe8: {  	_ =	shalt  }

</sc_bundles>
